<compile_context>
chip_gen: v7x
topology: tpu7x:2x2x1
jax: 0.10.2.dev20260603
libtpu: 0.0.44.dev20260713+nightly
codegen_flags: <defaults>
</compile_context>

<pallas_src>
import functools

import jax
import jax.numpy as jnp
from jax import lax
from jax.experimental import pallas as pl
from jax.experimental.pallas import tpu as pltpu
from jax.experimental.pallas import tpu_sc as plsc

_E, _D, _F = 8, 1024, 4096
_T = 2048
_BT = 128
_G = _T // _BT + _E
_TP = _G * _BT
_NW = 32
_TPW = _T // _NW
_GPAD = 128
_NF = 2
_FC = _F // _NF


def _route_body(x_ref, c_ref, dest_ref, alpha_ref, bexp_ref, nblk_ref):
    x = x_ref[...]
    c = c_ref[...]
    aff = lax.dot_general(
        x, c, (((1,), (1,)), ((), ())),
        preferred_element_type=jnp.float32,
        precision=lax.Precision.DEFAULT)
    mx = jnp.max(aff, axis=1, keepdims=True)
    alpha = 1.0 / (1.0 + jnp.exp(-mx))
    alpha_ref[...] = jnp.broadcast_to(alpha, (_T, 128))
    eid = lax.broadcasted_iota(jnp.int32, (_T, _E), 1)
    idx = jnp.min(jnp.where(aff == mx, eid, _E), axis=1, keepdims=True)
    onehot = (eid == idx).astype(jnp.float32)
    tri = (lax.broadcasted_iota(jnp.int32, (_T, _T), 1)
           <= lax.broadcasted_iota(jnp.int32, (_T, _T), 0)).astype(jnp.float32)
    cum = lax.dot_general(tri, onehot, (((1,), (0,)), ((), ())),
                          preferred_element_type=jnp.float32)
    counts = cum[_T - 1:_T, :]
    rank = jnp.sum(cum * onehot, axis=1, keepdims=True) - 1.0
    nblk = jnp.ceil(counts * (1.0 / _BT))
    nb = jnp.broadcast_to(nblk, (_E, _E))
    strict_lo = (lax.broadcasted_iota(jnp.int32, (_E, _E), 1)
                 < lax.broadcasted_iota(jnp.int32, (_E, _E), 0)).astype(jnp.float32)
    blk_start = jnp.sum(nb * strict_lo, axis=1, keepdims=True)
    pad_start = blk_start * float(_BT)
    dest_base = lax.dot_general(onehot, pad_start, (((1,), (0,)), ((), ())),
                                preferred_element_type=jnp.float32)
    dest_ref[...] = (dest_base + rank).astype(jnp.int32).reshape(_T // 128, 128)
    ge = (jnp.broadcast_to(blk_start, (_E, _GPAD))
          <= lax.broadcasted_iota(jnp.int32, (_E, _GPAD), 1).astype(jnp.float32)
          ).astype(jnp.float32)
    bexp_ref[...] = jnp.sum(ge, axis=0, keepdims=True).astype(jnp.int32) - 1
    nblk_ref[...] = nblk.astype(jnp.int32)


def _ffn_body(bexp_ref, nblk_ref, xs_ref, al_ref, lns_ref, lnb_ref,
              w1_any, b1_ref, w2_any, b2_ref, y_ref,
              acc_ref, w1raw_ref, w2raw_ref,
              slot_ref, sems):
    f = pl.program_id(0)
    g = pl.program_id(1)
    e = bexp_ref[0, g]
    eprev = bexp_ref[0, jnp.maximum(g - 1, 0)]

    def _fetch(slot, ee):
        pltpu.make_async_copy(
            w1_any.at[ee, :, pl.ds(f * _FC, _FC)],
            w1raw_ref.at[slot], sems.at[slot]).start()
        pltpu.make_async_copy(
            w2_any.at[ee, pl.ds(f * _FC, _FC), :],
            w2raw_ref.at[slot], sems.at[slot]).start()

    def _wait(slot):
        pltpu.make_async_copy(
            w1_any.at[0, :, pl.ds(0, _FC)],
            w1raw_ref.at[slot], sems.at[slot]).wait()
        pltpu.make_async_copy(
            w2_any.at[0, pl.ds(0, _FC), :],
            w2raw_ref.at[slot], sems.at[slot]).wait()

    @pl.when(g == 0)
    def _init():
        slot_ref[0] = 0
        _fetch(0, e)

    @pl.when((g > 0) & (e != eprev))
    def _flip():
        slot_ref[0] = 1 - slot_ref[0]

    s = slot_ref[0]

    @pl.when((g == 0) | (e != eprev))
    def _swap_weights():
        _wait(s)
        ne = bexp_ref[0, g + nblk_ref[0, e]]

        @pl.when(ne != e)
        def _prefetch_next():
            _fetch(1 - s, ne)

    xs = xs_ref[...]
    mu = jnp.mean(xs, axis=1, keepdims=True)
    var = jnp.mean((xs - mu) * (xs - mu), axis=1, keepdims=True)
    hn = (xs - mu) * lax.rsqrt(var + 1e-5) * lns_ref[0] + lnb_ref[0]
    h = jnp.maximum(
        lax.dot_general(hn, w1raw_ref[s], (((1,), (0,)), ((), ())),
                        preferred_element_type=jnp.float32) + b1_ref[0], 0.0)
    part = lax.dot_general(h, w2raw_ref[s], (((1,), (0,)), ((), ())),
                           preferred_element_type=jnp.float32)

    @pl.when(f == 0)
    def _store_partial():
        acc_ref[pl.ds(g * _BT, _BT), :] = part

    @pl.when((f > 0) & (f < _NF - 1))
    def _add_partial():
        acc_ref[pl.ds(g * _BT, _BT), :] += part

    @pl.when(f == _NF - 1)
    def _finish():
        y_ref[...] = xs + al_ref[:, :1] * (
            acc_ref[pl.ds(g * _BT, _BT), :] + part + b2_ref[0])


def _dispatch_body(x_hbm, dest_hbm, alpha_hbm, xs_hbm, as_hbm,
                   idx_v, rows_v, al_v, sem1, sem2):
    wid = lax.axis_index("s") * 2 + lax.axis_index("c")
    base = wid * _TPW
    pltpu.sync_copy(dest_hbm.at[pl.ds(base, _TPW)], idx_v)
    pltpu.sync_copy(x_hbm.at[pl.ds(base, _TPW)], rows_v)
    pltpu.sync_copy(alpha_hbm.at[pl.ds(base, _TPW)], al_v)
    cp1 = pltpu.async_copy(rows_v, xs_hbm.at[idx_v], sem1)
    cp2 = pltpu.async_copy(al_v, as_hbm.at[idx_v], sem2)
    cp1.wait()
    cp2.wait()


def _combine_body(dest_hbm, y_hbm, out_hbm, idx_v, rows_v, sem):
    wid = lax.axis_index("s") * 2 + lax.axis_index("c")
    base = wid * _TPW
    pltpu.sync_copy(dest_hbm.at[pl.ds(base, _TPW)], idx_v)
    pltpu.async_copy(y_hbm.at[idx_v], rows_v, sem).wait()
    pltpu.sync_copy(rows_v, out_hbm.at[pl.ds(base, _TPW)])


@functools.lru_cache(maxsize=None)
def _sc_calls():
    mesh = plsc.VectorSubcoreMesh(core_axis_name="c", subcore_axis_name="s")
    dispatch = pl.kernel(
        _dispatch_body,
        out_type=[jax.ShapeDtypeStruct((_TP, _D), jnp.float32),
                  jax.ShapeDtypeStruct((_TP, 128), jnp.float32)],
        mesh=mesh,
        scratch_types=[pltpu.VMEM((_TPW,), jnp.int32),
                       pltpu.VMEM((_TPW, _D), jnp.float32),
                       pltpu.VMEM((_TPW, 128), jnp.float32),
                       pltpu.SemaphoreType.DMA,
                       pltpu.SemaphoreType.DMA])
    combine = pl.kernel(
        _combine_body,
        out_type=jax.ShapeDtypeStruct((_T, _D), jnp.float32),
        mesh=mesh,
        scratch_types=[pltpu.VMEM((_TPW,), jnp.int32),
                       pltpu.VMEM((_TPW, _D), jnp.float32),
                       pltpu.SemaphoreType.DMA])
    return dispatch, combine


_route_call = pl.pallas_call(
    _route_body,
    out_shape=[jax.ShapeDtypeStruct((_T // 128, 128), jnp.int32),
               jax.ShapeDtypeStruct((_T, 128), jnp.float32),
               jax.ShapeDtypeStruct((1, _GPAD), jnp.int32),
               jax.ShapeDtypeStruct((1, _E), jnp.int32)],
)

_ffn_call = pl.pallas_call(
    _ffn_body,
    grid_spec=pltpu.PrefetchScalarGridSpec(
        num_scalar_prefetch=2,
        grid=(_NF, _G),
        in_specs=[
            pl.BlockSpec((_BT, _D), lambda f, g, be, nb: (g, 0)),
            pl.BlockSpec((_BT, 128), lambda f, g, be, nb: (g, 0)),
            pl.BlockSpec((1, 1, _D), lambda f, g, be, nb: (be[0, g], 0, 0)),
            pl.BlockSpec((1, 1, _D), lambda f, g, be, nb: (be[0, g], 0, 0)),
            pl.BlockSpec(memory_space=pl.ANY),
            pl.BlockSpec((1, 1, _FC), lambda f, g, be, nb: (be[0, g], 0, f)),
            pl.BlockSpec(memory_space=pl.ANY),
            pl.BlockSpec((1, 1, _D), lambda f, g, be, nb: (be[0, g], 0, 0)),
        ],
        out_specs=pl.BlockSpec(
            (_BT, _D), lambda f, g, be, nb: (jnp.where(f == _NF - 1, g, 0), 0)),
        scratch_shapes=[pltpu.VMEM((_TP, _D), jnp.float32),
                        pltpu.VMEM((2, _D, _FC), jnp.float32),
                        pltpu.VMEM((2, _FC, _D), jnp.float32),
                        pltpu.SMEM((1,), jnp.int32),
                        pltpu.SemaphoreType.DMA((2,))],
    ),
    out_shape=jax.ShapeDtypeStruct((_TP, _D), jnp.float32),
    compiler_params=pltpu.CompilerParams(vmem_limit_bytes=62 * 1024 * 1024),
)


def kernel(input_features, input_ids, expert_centroids, ln_scale, ln_bias,
           W1, b1, W2, b2):
    s, b, d = input_features.shape
    x = input_features.reshape(s * b, d)
    dest2, alpha16, bexp2, nblk2 = _route_call(x, expert_centroids)
    dest = dest2.reshape(_T)
    dispatch, combine = _sc_calls()
    xs, als = dispatch(x, dest, alpha16)
    y = _ffn_call(bexp2, nblk2, xs, als,
                  ln_scale.reshape(_E, 1, _D), ln_bias.reshape(_E, 1, _D),
                  W1, b1.reshape(_E, 1, _F),
                  W2, b2.reshape(_E, 1, _D))
    out = combine(dest, y)
    return out.reshape(s, b, d)

# --- scband reference (transcript-rebuilt; emitter-appended) ---
"""Pipeline reference for scband-base-layer-67156108640620 (READ-ONLY COPY).

The authoritative reference and input builder live on the scoring server;
editing this copy changes nothing except your own understanding.
"""

import jax, jax.numpy as jnp
import numpy as np

E = 8
D = 1024
FFN = 4096
S = 2048
B = 1
VOCAB = 50000


def setup_inputs(seed: int = 0) -> dict:
    key = jax.random.key(seed)
    ks = jax.random.split(key, 8)
    input_features = jax.random.normal(ks[0], (S, B, D), dtype=jnp.float32)
    input_ids = jax.random.randint(ks[1], (S, B), 0, VOCAB)
    # expert_centroids: torch uses orthogonal init gain=0.1; random normal * 0.1 is a close stand-in
    expert_centroids = jax.random.normal(ks[2], (E, D), dtype=jnp.float32) * 0.1
    ln_scale = jnp.ones((E, D), dtype=jnp.float32)
    ln_bias = jnp.zeros((E, D), dtype=jnp.float32)
    W1 = jax.random.normal(ks[3], (E, D, FFN), dtype=jnp.float32) * 0.02
    b1 = jnp.zeros((E, FFN), dtype=jnp.float32)
    # torch zero-inits ff2.weight; use small random so outputs/grads are non-trivial
    W2 = jax.random.normal(ks[4], (E, FFN, D), dtype=jnp.float32) * 0.02
    b2 = jnp.zeros((E, D), dtype=jnp.float32)
    return {
        'input_features': input_features,
        'input_ids': input_ids,
        'expert_centroids': expert_centroids,
        'ln_scale': ln_scale,
        'ln_bias': ln_bias,
        'W1': W1,
        'b1': b1,
        'W2': W2,
        'b2': b2,
    }


def _layernorm(x, scale, bias, eps=1e-5):
    mu = jnp.mean(x, axis=-1, keepdims=True)
    var = jnp.var(x, axis=-1, keepdims=True)
    return (x - mu) / jnp.sqrt(var + eps) * scale + bias


def reference(input_features, input_ids, expert_centroids, ln_scale, ln_bias, W1, b1, W2, b2):
    # input_ids only used for the (disabled) distill_assignment path; shape check as in torch
    assert input_ids.shape == input_features.shape[:-1]
    s, b, d = input_features.shape
    x = input_features.reshape(-1, d)  # [T, D]
    # token-expert affinities -> greedy (GA) per-token assignment to argmax expert
    aff = x @ expert_centroids.T  # [T, E]
    idx = jnp.argmax(aff, axis=1)  # [T]
    out = jnp.zeros_like(x)
    for e in range(E):
        # alpha = sigmoid(routed_features . centroid[expert_id])
        alpha = jax.nn.sigmoid(x @ expert_centroids[e])[:, None]
        # MoESublayer: xs + ff2(relu(ff1(LN(xs)))) (moe_sublayers = 1)
        hn = _layernorm(x, ln_scale[e], ln_bias[e])
        h = x + (jax.nn.relu(hn @ W1[e] + b1[e]) @ W2[e] + b2[e])
        ye = alpha * h + (1.0 - alpha) * x
        out = jnp.where((idx == e)[:, None], ye, out)
    return out.reshape(s, b, d)

if __name__ == "__main__":
    import jax
    _d = setup_inputs()
    print(jax.jit(kernel)(*tuple(_d.values())))

</pallas_src>

<mosaic_0001>
#map = affine_map<(d0, d1) -> (0, 0)>
#map1 = affine_map<(d0, d1) -> (0)>
module attributes {stable_mosaic.version = 14 : i64} {
  func.func @_dispatch_body(%arg0: i32, %arg1: i32, %arg2: memref<2048x1024xf32, #tpu.memory_space<hbm>>, %arg3: memref<2048xi32, #tpu.memory_space<hbm>>, %arg4: memref<2048x128xf32, #tpu.memory_space<hbm>>, %arg5: memref<3072x1024xf32, #tpu.memory_space<hbm>>, %arg6: memref<3072x128xf32, #tpu.memory_space<hbm>>, %arg7: memref<64xi32, #tpu.memory_space<vmem>>, %arg8: memref<64x1024xf32, #tpu.memory_space<vmem>>, %arg9: memref<64x128xf32, #tpu.memory_space<vmem>>, %arg10: memref<!tpu.dma_semaphore, #tpu.memory_space<semaphore_mem>>, %arg11: memref<!tpu.dma_semaphore, #tpu.memory_space<semaphore_mem>>) attributes {dimension_semantics = [#tpu.dimension_semantics<core_parallel>, #tpu.dimension_semantics<subcore_parallel>], iteration_bounds = array<i64: 2, 16>, scalar_prefetch = 0 : i64, scratch_operands = 5 : i64, tpu.core_type = #tpu.core_type<sc_vector_subcore>, window_params = [{transform_indices = #map}, {transform_indices = #map1}, {transform_indices = #map}, {transform_indices = #map}, {transform_indices = #map}]} {
    %mul3A = arith.constant 2 : i32
    %mul3A_0 = arith.muli %arg1, %mul3A : i32
    %add3A = arith.addi %mul3A_0, %arg0 : i32
    %mul3A_1 = arith.constant 64 : i32
    %mul3A_2 = arith.muli %add3A, %mul3A_1 : i32
    "tpu.region"() ({
      %run_scoped3A = tpu.sem_alloc : memref<!tpu.dma_semaphore, #tpu.memory_space<semaphore_mem>>
      %dma_start3A_13 = tpu.memref_slice %arg3[%mul3A_2] : memref<2048xi32, #tpu.memory_space<hbm>> -> memref<64xi32, #tpu.memory_space<hbm>>
      %dma_start3A_14 = tpu.memref_slice %arg3[%mul3A_2] : memref<2048xi32, #tpu.memory_space<hbm>> -> memref<64xi32, #tpu.memory_space<hbm>>
      tpu.enqueue_dma source(%dma_start3A_14 : memref<64xi32, #tpu.memory_space<hbm>>) target(%arg7 : memref<64xi32, #tpu.memory_space<vmem>>) target_semaphore(%run_scoped3A : memref<!tpu.dma_semaphore, #tpu.memory_space<semaphore_mem>>)
      %dma_wait3A_15 = tpu.memref_slice %arg3[%mul3A_2] : memref<2048xi32, #tpu.memory_space<hbm>> -> memref<64xi32, #tpu.memory_space<hbm>>
      %dma_wait3A_16 = tpu.memref_slice %arg3[%mul3A_2] : memref<2048xi32, #tpu.memory_space<hbm>> -> memref<64xi32, #tpu.memory_space<hbm>>
      tpu.wait_dma2 semaphore(%run_scoped3A : memref<!tpu.dma_semaphore, #tpu.memory_space<semaphore_mem>>) src(%dma_wait3A_16 : memref<64xi32, #tpu.memory_space<hbm>>) dst(%arg7 : memref<64xi32, #tpu.memory_space<vmem>>)
      tpu.yield
    }) : () -> ()
    "tpu.region"() ({
      %run_scoped3A = tpu.sem_alloc : memref<!tpu.dma_semaphore, #tpu.memory_space<semaphore_mem>>
      %dma_start3A_13 = arith.constant 0 : i32
      %dma_start3A_14 = tpu.memref_slice %arg2[%mul3A_2, %dma_start3A_13] : memref<2048x1024xf32, #tpu.memory_space<hbm>> -> memref<64x1024xf32, #tpu.memory_space<hbm>>
      %dma_start3A_15 = arith.constant 0 : i32
      %dma_start3A_16 = tpu.memref_slice %arg2[%mul3A_2, %dma_start3A_15] : memref<2048x1024xf32, #tpu.memory_space<hbm>> -> memref<64x1024xf32, #tpu.memory_space<hbm>>
      tpu.enqueue_dma source(%dma_start3A_16 : memref<64x1024xf32, #tpu.memory_space<hbm>>) target(%arg8 : memref<64x1024xf32, #tpu.memory_space<vmem>>) target_semaphore(%run_scoped3A : memref<!tpu.dma_semaphore, #tpu.memory_space<semaphore_mem>>)
      %dma_wait3A_17 = arith.constant 0 : i32
      %dma_wait3A_18 = tpu.memref_slice %arg2[%mul3A_2, %dma_wait3A_17] : memref<2048x1024xf32, #tpu.memory_space<hbm>> -> memref<64x1024xf32, #tpu.memory_space<hbm>>
      %dma_wait3A_19 = arith.constant 0 : i32
      %dma_wait3A_20 = tpu.memref_slice %arg2[%mul3A_2, %dma_wait3A_19] : memref<2048x1024xf32, #tpu.memory_space<hbm>> -> memref<64x1024xf32, #tpu.memory_space<hbm>>
      tpu.wait_dma2 semaphore(%run_scoped3A : memref<!tpu.dma_semaphore, #tpu.memory_space<semaphore_mem>>) src(%dma_wait3A_20 : memref<64x1024xf32, #tpu.memory_space<hbm>>) dst(%arg8 : memref<64x1024xf32, #tpu.memory_space<vmem>>)
      tpu.yield
    }) : () -> ()
    "tpu.region"() ({
      %run_scoped3A = tpu.sem_alloc : memref<!tpu.dma_semaphore, #tpu.memory_space<semaphore_mem>>
      %dma_start3A_13 = arith.constant 0 : i32
      %dma_start3A_14 = tpu.memref_slice %arg4[%mul3A_2, %dma_start3A_13] : memref<2048x128xf32, #tpu.memory_space<hbm>> -> memref<64x128xf32, #tpu.memory_space<hbm>>
      %dma_start3A_15 = arith.constant 0 : i32
      %dma_start3A_16 = tpu.memref_slice %arg4[%mul3A_2, %dma_start3A_15] : memref<2048x128xf32, #tpu.memory_space<hbm>> -> memref<64x128xf32, #tpu.memory_space<hbm>>
      tpu.enqueue_dma source(%dma_start3A_16 : memref<64x128xf32, #tpu.memory_space<hbm>>) target(%arg9 : memref<64x128xf32, #tpu.memory_space<vmem>>) target_semaphore(%run_scoped3A : memref<!tpu.dma_semaphore, #tpu.memory_space<semaphore_mem>>)
      %dma_wait3A_17 = arith.constant 0 : i32
      %dma_wait3A_18 = tpu.memref_slice %arg4[%mul3A_2, %dma_wait3A_17] : memref<2048x128xf32, #tpu.memory_space<hbm>> -> memref<64x128xf32, #tpu.memory_space<hbm>>
      %dma_wait3A_19 = arith.constant 0 : i32
      %dma_wait3A_20 = tpu.memref_slice %arg4[%mul3A_2, %dma_wait3A_19] : memref<2048x128xf32, #tpu.memory_space<hbm>> -> memref<64x128xf32, #tpu.memory_space<hbm>>
      tpu.wait_dma2 semaphore(%run_scoped3A : memref<!tpu.dma_semaphore, #tpu.memory_space<semaphore_mem>>) src(%dma_wait3A_20 : memref<64x128xf32, #tpu.memory_space<hbm>>) dst(%arg9 : memref<64x128xf32, #tpu.memory_space<vmem>>)
      tpu.yield
    }) : () -> ()
    %dma_start3A = arith.constant 0 : i32
    %dma_start3A_3 = arith.constant 0 : i32
    %dma_start3A_4 = tpu.memref_slice %arg5[%dma_start3A, %dma_start3A_3] : memref<3072x1024xf32, #tpu.memory_space<hbm>> -> memref<3072x1024xf32, #tpu.memory_space<hbm>>
    tpu.enqueue_indirect_dma source(%arg8 : memref<64x1024xf32, #tpu.memory_space<vmem>>) target(%dma_start3A_4 : memref<3072x1024xf32, #tpu.memory_space<hbm>>) offsets(%arg7 : memref<64xi32, #tpu.memory_space<vmem>>) semaphore(%arg10 : memref<!tpu.dma_semaphore, #tpu.memory_space<semaphore_mem>>)
    %dma_start3A_5 = arith.constant 0 : i32
    %dma_start3A_6 = arith.constant 0 : i32
    %dma_start3A_7 = tpu.memref_slice %arg6[%dma_start3A_5, %dma_start3A_6] : memref<3072x128xf32, #tpu.memory_space<hbm>> -> memref<3072x128xf32, #tpu.memory_space<hbm>>
    tpu.enqueue_indirect_dma source(%arg9 : memref<64x128xf32, #tpu.memory_space<vmem>>) target(%dma_start3A_7 : memref<3072x128xf32, #tpu.memory_space<hbm>>) offsets(%arg7 : memref<64xi32, #tpu.memory_space<vmem>>) semaphore(%arg11 : memref<!tpu.dma_semaphore, #tpu.memory_space<semaphore_mem>>)
    %dma_wait3A = arith.constant 0 : i32
    %dma_wait3A_8 = arith.constant 0 : i32
    %dma_wait3A_9 = tpu.memref_slice %arg5[%dma_wait3A, %dma_wait3A_8] : memref<3072x1024xf32, #tpu.memory_space<hbm>> -> memref<3072x1024xf32, #tpu.memory_space<hbm>>
    tpu.wait_indirect_dma semaphore(%arg10 : memref<!tpu.dma_semaphore, #tpu.memory_space<semaphore_mem>>) src(%arg8 : memref<64x1024xf32, #tpu.memory_space<vmem>>) dst(%dma_wait3A_9 : memref<3072x1024xf32, #tpu.memory_space<hbm>>)
    %dma_wait3A_10 = arith.constant 0 : i32
    %dma_wait3A_11 = arith.constant 0 : i32
    %dma_wait3A_12 = tpu.memref_slice %arg6[%dma_wait3A_10, %dma_wait3A_11] : memref<3072x128xf32, #tpu.memory_space<hbm>> -> memref<3072x128xf32, #tpu.memory_space<hbm>>
    tpu.wait_indirect_dma semaphore(%arg11 : memref<!tpu.dma_semaphore, #tpu.memory_space<semaphore_mem>>) src(%arg9 : memref<64x128xf32, #tpu.memory_space<vmem>>) dst(%dma_wait3A_12 : memref<3072x128xf32, #tpu.memory_space<hbm>>)
    return
  }
}

#map = affine_map<(d0, d1) -> (0)>
#map1 = affine_map<(d0, d1) -> (0, 0)>
module attributes {stable_mosaic.version = 14 : i64} {
  func.func @_combine_body(%arg0: i32, %arg1: i32, %arg2: memref<2048xi32, #tpu.memory_space<hbm>>, %arg3: memref<3072x1024xf32, #tpu.memory_space<hbm>>, %arg4: memref<2048x1024xf32, #tpu.memory_space<hbm>>, %arg5: memref<64xi32, #tpu.memory_space<vmem>>, %arg6: memref<64x1024xf32, #tpu.memory_space<vmem>>, %arg7: memref<!tpu.dma_semaphore, #tpu.memory_space<semaphore_mem>>) attributes {dimension_semantics = [#tpu.dimension_semantics<core_parallel>, #tpu.dimension_semantics<subcore_parallel>], iteration_bounds = array<i64: 2, 16>, scalar_prefetch = 0 : i64, scratch_operands = 3 : i64, tpu.core_type = #tpu.core_type<sc_vector_subcore>, window_params = [{transform_indices = #map}, {transform_indices = #map1}, {transform_indices = #map1}]} {
    %mul3A = arith.constant 2 : i32
    %mul3A_0 = arith.muli %arg1, %mul3A : i32
    %add3A = arith.addi %mul3A_0, %arg0 : i32
    %mul3A_1 = arith.constant 64 : i32
    %mul3A_2 = arith.muli %add3A, %mul3A_1 : i32
    "tpu.region"() ({
      %run_scoped3A = tpu.sem_alloc : memref<!tpu.dma_semaphore, #tpu.memory_space<semaphore_mem>>
      %dma_start3A_7 = tpu.memref_slice %arg2[%mul3A_2] : memref<2048xi32, #tpu.memory_space<hbm>> -> memref<64xi32, #tpu.memory_space<hbm>>
      %dma_start3A_8 = tpu.memref_slice %arg2[%mul3A_2] : memref<2048xi32, #tpu.memory_space<hbm>> -> memref<64xi32, #tpu.memory_space<hbm>>
      tpu.enqueue_dma source(%dma_start3A_8 : memref<64xi32, #tpu.memory_space<hbm>>) target(%arg5 : memref<64xi32, #tpu.memory_space<vmem>>) target_semaphore(%run_scoped3A : memref<!tpu.dma_semaphore, #tpu.memory_space<semaphore_mem>>)
      %dma_wait3A_9 = tpu.memref_slice %arg2[%mul3A_2] : memref<2048xi32, #tpu.memory_space<hbm>> -> memref<64xi32, #tpu.memory_space<hbm>>
      %dma_wait3A_10 = tpu.memref_slice %arg2[%mul3A_2] : memref<2048xi32, #tpu.memory_space<hbm>> -> memref<64xi32, #tpu.memory_space<hbm>>
      tpu.wait_dma2 semaphore(%run_scoped3A : memref<!tpu.dma_semaphore, #tpu.memory_space<semaphore_mem>>) src(%dma_wait3A_10 : memref<64xi32, #tpu.memory_space<hbm>>) dst(%arg5 : memref<64xi32, #tpu.memory_space<vmem>>)
      tpu.yield
    }) : () -> ()
    %dma_start3A = arith.constant 0 : i32
    %dma_start3A_3 = arith.constant 0 : i32
    %dma_start3A_4 = tpu.memref_slice %arg3[%dma_start3A, %dma_start3A_3] : memref<3072x1024xf32, #tpu.memory_space<hbm>> -> memref<3072x1024xf32, #tpu.memory_space<hbm>>
    tpu.enqueue_indirect_dma source(%dma_start3A_4 : memref<3072x1024xf32, #tpu.memory_space<hbm>>) target(%arg6 : memref<64x1024xf32, #tpu.memory_space<vmem>>) offsets(%arg5 : memref<64xi32, #tpu.memory_space<vmem>>) semaphore(%arg7 : memref<!tpu.dma_semaphore, #tpu.memory_space<semaphore_mem>>)
    %dma_wait3A = arith.constant 0 : i32
    %dma_wait3A_5 = arith.constant 0 : i32
    %dma_wait3A_6 = tpu.memref_slice %arg3[%dma_wait3A, %dma_wait3A_5] : memref<3072x1024xf32, #tpu.memory_space<hbm>> -> memref<3072x1024xf32, #tpu.memory_space<hbm>>
    tpu.wait_indirect_dma semaphore(%arg7 : memref<!tpu.dma_semaphore, #tpu.memory_space<semaphore_mem>>) src(%dma_wait3A_6 : memref<3072x1024xf32, #tpu.memory_space<hbm>>) dst(%arg6 : memref<64x1024xf32, #tpu.memory_space<vmem>>)
    "tpu.region"() ({
      %run_scoped3A = tpu.sem_alloc : memref<!tpu.dma_semaphore, #tpu.memory_space<semaphore_mem>>
      %dma_start3A_7 = arith.constant 0 : i32
      %dma_start3A_8 = tpu.memref_slice %arg4[%mul3A_2, %dma_start3A_7] : memref<2048x1024xf32, #tpu.memory_space<hbm>> -> memref<64x1024xf32, #tpu.memory_space<hbm>>
      %dma_start3A_9 = arith.constant 0 : i32
      %dma_start3A_10 = tpu.memref_slice %arg4[%mul3A_2, %dma_start3A_9] : memref<2048x1024xf32, #tpu.memory_space<hbm>> -> memref<64x1024xf32, #tpu.memory_space<hbm>>
      tpu.enqueue_dma source(%arg6 : memref<64x1024xf32, #tpu.memory_space<vmem>>) target(%dma_start3A_10 : memref<64x1024xf32, #tpu.memory_space<hbm>>) target_semaphore(%run_scoped3A : memref<!tpu.dma_semaphore, #tpu.memory_space<semaphore_mem>>)
      %dma_wait3A_11 = arith.constant 0 : i32
      %dma_wait3A_12 = tpu.memref_slice %arg4[%mul3A_2, %dma_wait3A_11] : memref<2048x1024xf32, #tpu.memory_space<hbm>> -> memref<64x1024xf32, #tpu.memory_space<hbm>>
      %dma_wait3A_13 = arith.constant 0 : i32
      %dma_wait3A_14 = tpu.memref_slice %arg4[%mul3A_2, %dma_wait3A_13] : memref<2048x1024xf32, #tpu.memory_space<hbm>> -> memref<64x1024xf32, #tpu.memory_space<hbm>>
      tpu.wait_dma2 semaphore(%run_scoped3A : memref<!tpu.dma_semaphore, #tpu.memory_space<semaphore_mem>>) src(%arg6 : memref<64x1024xf32, #tpu.memory_space<vmem>>) dst(%dma_wait3A_14 : memref<64x1024xf32, #tpu.memory_space<hbm>>)
      tpu.yield
    }) : () -> ()
    return
  }
}

module attributes {stable_mosaic.version = 14 : i64} {
  func.func @_ffn_body(%arg0: i32, %arg1: i32, %arg2: memref<1x128xi32, #tpu.memory_space<smem>>, %arg3: memref<1x8xi32, #tpu.memory_space<smem>>, %arg4: memref<128x1024xf32, #tpu.memory_space<vmem>>, %arg5: memref<128x128xf32, #tpu.memory_space<vmem>>, %arg6: memref<1x1x1024xf32, #tpu.memory_space<vmem>>, %arg7: memref<1x1x1024xf32, #tpu.memory_space<vmem>>, %arg8: memref<8x1024x4096xf32, #tpu.memory_space<any>>, %arg9: memref<1x1x2048xf32, #tpu.memory_space<vmem>>, %arg10: memref<8x4096x1024xf32, #tpu.memory_space<any>>, %arg11: memref<1x1x1024xf32, #tpu.memory_space<vmem>>, %arg12: memref<128x1024xf32, #tpu.memory_space<vmem>>, %arg13: memref<3072x1024xf32, #tpu.memory_space<vmem>>, %arg14: memref<2x1024x2048xf32, #tpu.memory_space<vmem>>, %arg15: memref<2x2048x1024xf32, #tpu.memory_space<vmem>>, %arg16: memref<1xi32, #tpu.memory_space<smem>>, %arg17: memref<2x!tpu.dma_semaphore, #tpu.memory_space<semaphore_mem>>) attributes {dimension_semantics = [#tpu.dimension_semantics<arbitrary>, #tpu.dimension_semantics<arbitrary>], iteration_bounds = array<i64: 2, 24>, scalar_prefetch = 2 : i64, scratch_operands = 5 : i64, tpu.core_type = #tpu.core_type<tc>, window_params = [{transform_indices = @transform_0, window_bounds = array<i64: 128, 1024>}, {transform_indices = @transform_1, window_bounds = array<i64: 128, 128>}, {transform_indices = @transform_2, window_bounds = array<i64: 1, 1, 1024>}, {transform_indices = @transform_3, window_bounds = array<i64: 1, 1, 1024>}, {}, {transform_indices = @transform_5, window_bounds = array<i64: 1, 1, 2048>}, {}, {transform_indices = @transform_7, window_bounds = array<i64: 1, 1, 1024>}, {transform_indices = @transform_8, window_bounds = array<i64: 128, 1024>}]} {
    %get3A = arith.constant 0 : index
    %get3A_0 = arith.index_cast %arg1 : i32 to index
    %get3A_1 = memref.load %arg2[%get3A, %get3A_0] : memref<1x128xi32, #tpu.memory_space<smem>>
    %sub3A = arith.constant 1 : i32
    %sub3A_2 = arith.subi %arg1, %sub3A : i32
    %max3A = arith.constant 0 : i32
    %max3A_3 = arith.maxsi %sub3A_2, %max3A : i32
    %get3A_4 = arith.constant 0 : index
    %get3A_5 = arith.index_cast %max3A_3 : i32 to index
    %get3A_6 = memref.load %arg2[%get3A_4, %get3A_5] : memref<1x128xi32, #tpu.memory_space<smem>>
    %eq3A = arith.constant 0 : i32
    %eq3A_7 = arith.cmpi eq, %arg1, %eq3A : i32
    %convert_element_type3A = arith.extui %eq3A_7 : i1 to i32
    %cond3A = arith.constant 0 : i32
    %cond3A_8 = arith.cmpi ne, %convert_element_type3A, %cond3A : i32
    scf.if %cond3A_8 {
      %swap3A = arith.constant 0 : i32
      %swap3A_97 = arith.constant 0 : index
      %swap3A_98 = memref.load %arg16[%swap3A_97] : memref<1xi32, #tpu.memory_space<smem>>
      memref.store %swap3A, %arg16[%swap3A_97] : memref<1xi32, #tpu.memory_space<smem>>
      %mul3A_99 = arith.constant 2048 : i32
      %mul3A_100 = arith.muli %arg0, %mul3A_99 : i32
      %dma_start3A = arith.constant 0 : i32
      %dma_start3A_101 = arith.constant 0 : i32
      %dma_start3A_102 = tpu.memref_slice %arg17[%dma_start3A_101] : memref<2x!tpu.dma_semaphore, #tpu.memory_space<semaphore_mem>> -> memref<1x!tpu.dma_semaphore, #tpu.memory_space<semaphore_mem>>
      %dma_start3A_103 = tpu.memref_squeeze %dma_start3A_102 : memref<1x!tpu.dma_semaphore, #tpu.memory_space<semaphore_mem>> -> memref<!tpu.dma_semaphore, #tpu.memory_space<semaphore_mem>>
      %dma_start3A_104 = arith.constant 0 : i32
      %dma_start3A_105 = arith.constant 0 : i32
      %dma_start3A_106 = tpu.memref_slice %arg14[%dma_start3A, %dma_start3A_104, %dma_start3A_105] : memref<2x1024x2048xf32, #tpu.memory_space<vmem>> -> memref<1x1024x2048xf32, #tpu.memory_space<vmem>>
      %dma_start3A_107 = tpu.memref_squeeze %dma_start3A_106 : memref<1x1024x2048xf32, #tpu.memory_space<vmem>> -> memref<1024x2048xf32, #tpu.memory_space<vmem>>
      %dma_start3A_108 = arith.constant 0 : i32
      %dma_start3A_109 = tpu.memref_slice %arg8[%get3A_1, %dma_start3A_108, %mul3A_100] : memref<8x1024x4096xf32, #tpu.memory_space<any>> -> memref<1x1024x2048xf32, #tpu.memory_space<any>>
      %dma_start3A_110 = tpu.memref_squeeze %dma_start3A_109 : memref<1x1024x2048xf32, #tpu.memory_space<any>> -> memref<1024x2048xf32, #tpu.memory_space<any>>
      tpu.enqueue_dma source(%dma_start3A_110 : memref<1024x2048xf32, #tpu.memory_space<any>>) target(%dma_start3A_107 : memref<1024x2048xf32, #tpu.memory_space<vmem>>) target_semaphore(%dma_start3A_103 : memref<!tpu.dma_semaphore, #tpu.memory_space<semaphore_mem>>)
      %mul3A_111 = arith.constant 2048 : i32
      %mul3A_112 = arith.muli %arg0, %mul3A_111 : i32
      %dma_start3A_113 = arith.constant 0 : i32
      %dma_start3A_114 = arith.constant 0 : i32
      %dma_start3A_115 = tpu.memref_slice %arg17[%dma_start3A_114] : memref<2x!tpu.dma_semaphore, #tpu.memory_space<semaphore_mem>> -> memref<1x!tpu.dma_semaphore, #tpu.memory_space<semaphore_mem>>
      %dma_start3A_116 = tpu.memref_squeeze %dma_start3A_115 : memref<1x!tpu.dma_semaphore, #tpu.memory_space<semaphore_mem>> -> memref<!tpu.dma_semaphore, #tpu.memory_space<semaphore_mem>>
      %dma_start3A_117 = arith.constant 0 : i32
      %dma_start3A_118 = arith.constant 0 : i32
      %dma_start3A_119 = tpu.memref_slice %arg15[%dma_start3A_113, %dma_start3A_117, %dma_start3A_118] : memref<2x2048x1024xf32, #tpu.memory_space<vmem>> -> memref<1x2048x1024xf32, #tpu.memory_space<vmem>>
      %dma_start3A_120 = tpu.memref_squeeze %dma_start3A_119 : memref<1x2048x1024xf32, #tpu.memory_space<vmem>> -> memref<2048x1024xf32, #tpu.memory_space<vmem>>
      %dma_start3A_121 = arith.constant 0 : i32
      %dma_start3A_122 = tpu.memref_slice %arg10[%get3A_1, %mul3A_112, %dma_start3A_121] : memref<8x4096x1024xf32, #tpu.memory_space<any>> -> memref<1x2048x1024xf32, #tpu.memory_space<any>>
      %dma_start3A_123 = tpu.memref_squeeze %dma_start3A_122 : memref<1x2048x1024xf32, #tpu.memory_space<any>> -> memref<2048x1024xf32, #tpu.memory_space<any>>
      tpu.enqueue_dma source(%dma_start3A_123 : memref<2048x1024xf32, #tpu.memory_space<any>>) target(%dma_start3A_120 : memref<2048x1024xf32, #tpu.memory_space<vmem>>) target_semaphore(%dma_start3A_116 : memref<!tpu.dma_semaphore, #tpu.memory_space<semaphore_mem>>)
    } else {
    }
    %gt3A = arith.constant 0 : i32
    %gt3A_9 = arith.cmpi sgt, %arg1, %gt3A : i32
    %ne3A = arith.cmpi ne, %get3A_1, %get3A_6 : i32
    %and3A = arith.andi %gt3A_9, %ne3A : i1
    %convert_element_type3A_10 = arith.extui %and3A : i1 to i32
    %cond3A_11 = arith.constant 0 : i32
    %cond3A_12 = arith.cmpi ne, %convert_element_type3A_10, %cond3A_11 : i32
    scf.if %cond3A_12 {
      %get3A_97 = arith.constant 0 : index
      %get3A_98 = memref.load %arg16[%get3A_97] : memref<1xi32, #tpu.memory_space<smem>>
      %sub3A_99 = arith.constant 1 : i32
      %sub3A_100 = arith.subi %sub3A_99, %get3A_98 : i32
      %swap3A = arith.constant 0 : index
      %swap3A_101 = memref.load %arg16[%swap3A] : memref<1xi32, #tpu.memory_space<smem>>
      memref.store %sub3A_100, %arg16[%swap3A] : memref<1xi32, #tpu.memory_space<smem>>
    } else {
    }
    %get3A_13 = arith.constant 0 : index
    %get3A_14 = memref.load %arg16[%get3A_13] : memref<1xi32, #tpu.memory_space<smem>>
    %eq3A_15 = arith.constant 0 : i32
    %eq3A_16 = arith.cmpi eq, %arg1, %eq3A_15 : i32
    %ne3A_17 = arith.cmpi ne, %get3A_1, %get3A_6 : i32
    %or3A = arith.ori %eq3A_16, %ne3A_17 : i1
    %convert_element_type3A_18 = arith.extui %or3A : i1 to i32
    %cond3A_19 = arith.constant 0 : i32
    %cond3A_20 = arith.cmpi ne, %convert_element_type3A_18, %cond3A_19 : i32
    scf.if %cond3A_20 {
      %dma_wait3A = arith.constant 0 : i32
      %dma_wait3A_97 = tpu.memref_slice %arg17[%get3A_14] : memref<2x!tpu.dma_semaphore, #tpu.memory_space<semaphore_mem>> -> memref<1x!tpu.dma_semaphore, #tpu.memory_space<semaphore_mem>>
      %dma_wait3A_98 = tpu.memref_squeeze %dma_wait3A_97 : memref<1x!tpu.dma_semaphore, #tpu.memory_space<semaphore_mem>> -> memref<!tpu.dma_semaphore, #tpu.memory_space<semaphore_mem>>
      %dma_wait3A_99 = arith.constant 0 : i32
      %dma_wait3A_100 = arith.constant 0 : i32
      %dma_wait3A_101 = tpu.memref_slice %arg14[%get3A_14, %dma_wait3A_99, %dma_wait3A_100] : memref<2x1024x2048xf32, #tpu.memory_space<vmem>> -> memref<1x1024x2048xf32, #tpu.memory_space<vmem>>
      %dma_wait3A_102 = tpu.memref_squeeze %dma_wait3A_101 : memref<1x1024x2048xf32, #tpu.memory_space<vmem>> -> memref<1024x2048xf32, #tpu.memory_space<vmem>>
      %dma_wait3A_103 = arith.constant 0 : i32
      %dma_wait3A_104 = arith.constant 0 : i32
      %dma_wait3A_105 = tpu.memref_slice %arg8[%dma_wait3A, %dma_wait3A_103, %dma_wait3A_104] : memref<8x1024x4096xf32, #tpu.memory_space<any>> -> memref<1x1024x2048xf32, #tpu.memory_space<any>>
      %dma_wait3A_106 = tpu.memref_squeeze %dma_wait3A_105 : memref<1x1024x2048xf32, #tpu.memory_space<any>> -> memref<1024x2048xf32, #tpu.memory_space<any>>
      tpu.wait_dma2 semaphore(%dma_wait3A_98 : memref<!tpu.dma_semaphore, #tpu.memory_space<semaphore_mem>>) src(%dma_wait3A_106 : memref<1024x2048xf32, #tpu.memory_space<any>>) dst(%dma_wait3A_102 : memref<1024x2048xf32, #tpu.memory_space<vmem>>)
      %dma_wait3A_107 = arith.constant 0 : i32
      %dma_wait3A_108 = tpu.memref_slice %arg17[%get3A_14] : memref<2x!tpu.dma_semaphore, #tpu.memory_space<semaphore_mem>> -> memref<1x!tpu.dma_semaphore, #tpu.memory_space<semaphore_mem>>
      %dma_wait3A_109 = tpu.memref_squeeze %dma_wait3A_108 : memref<1x!tpu.dma_semaphore, #tpu.memory_space<semaphore_mem>> -> memref<!tpu.dma_semaphore, #tpu.memory_space<semaphore_mem>>
      %dma_wait3A_110 = arith.constant 0 : i32
      %dma_wait3A_111 = arith.constant 0 : i32
      %dma_wait3A_112 = tpu.memref_slice %arg15[%get3A_14, %dma_wait3A_110, %dma_wait3A_111] : memref<2x2048x1024xf32, #tpu.memory_space<vmem>> -> memref<1x2048x1024xf32, #tpu.memory_space<vmem>>
      %dma_wait3A_113 = tpu.memref_squeeze %dma_wait3A_112 : memref<1x2048x1024xf32, #tpu.memory_space<vmem>> -> memref<2048x1024xf32, #tpu.memory_space<vmem>>
      %dma_wait3A_114 = arith.constant 0 : i32
      %dma_wait3A_115 = arith.constant 0 : i32
      %dma_wait3A_116 = tpu.memref_slice %arg10[%dma_wait3A_107, %dma_wait3A_114, %dma_wait3A_115] : memref<8x4096x1024xf32, #tpu.memory_space<any>> -> memref<1x2048x1024xf32, #tpu.memory_space<any>>
      %dma_wait3A_117 = tpu.memref_squeeze %dma_wait3A_116 : memref<1x2048x1024xf32, #tpu.memory_space<any>> -> memref<2048x1024xf32, #tpu.memory_space<any>>
      tpu.wait_dma2 semaphore(%dma_wait3A_109 : memref<!tpu.dma_semaphore, #tpu.memory_space<semaphore_mem>>) src(%dma_wait3A_117 : memref<2048x1024xf32, #tpu.memory_space<any>>) dst(%dma_wait3A_113 : memref<2048x1024xf32, #tpu.memory_space<vmem>>)
      %get3A_118 = arith.constant 0 : index
      %get3A_119 = arith.index_cast %get3A_1 : i32 to index
      %get3A_120 = memref.load %arg3[%get3A_118, %get3A_119] : memref<1x8xi32, #tpu.memory_space<smem>>
      %add3A_121 = arith.addi %arg1, %get3A_120 : i32
      %get3A_122 = arith.constant 0 : index
      %get3A_123 = arith.index_cast %add3A_121 : i32 to index
      %get3A_124 = memref.load %arg2[%get3A_122, %get3A_123] : memref<1x128xi32, #tpu.memory_space<smem>>
      %ne3A_125 = arith.cmpi ne, %get3A_124, %get3A_1 : i32
      %convert_element_type3A_126 = arith.extui %ne3A_125 : i1 to i32
      %cond3A_127 = arith.constant 0 : i32
      %cond3A_128 = arith.cmpi ne, %convert_element_type3A_126, %cond3A_127 : i32
      scf.if %cond3A_128 {
        %sub3A_129 = arith.constant 1 : i32
        %sub3A_130 = arith.subi %sub3A_129, %get3A_14 : i32
        %mul3A_131 = arith.constant 2048 : i32
        %mul3A_132 = arith.muli %arg0, %mul3A_131 : i32
        %dma_start3A = tpu.memref_slice %arg17[%sub3A_130] : memref<2x!tpu.dma_semaphore, #tpu.memory_space<semaphore_mem>> -> memref<1x!tpu.dma_semaphore, #tpu.memory_space<semaphore_mem>>
        %dma_start3A_133 = tpu.memref_squeeze %dma_start3A : memref<1x!tpu.dma_semaphore, #tpu.memory_space<semaphore_mem>> -> memref<!tpu.dma_semaphore, #tpu.memory_space<semaphore_mem>>
        %dma_start3A_134 = arith.constant 0 : i32
        %dma_start3A_135 = arith.constant 0 : i32
        %dma_start3A_136 = tpu.memref_slice %arg14[%sub3A_130, %dma_start3A_134, %dma_start3A_135] : memref<2x1024x2048xf32, #tpu.memory_space<vmem>> -> memref<1x1024x2048xf32, #tpu.memory_space<vmem>>
        %dma_start3A_137 = tpu.memref_squeeze %dma_start3A_136 : memref<1x1024x2048xf32, #tpu.memory_space<vmem>> -> memref<1024x2048xf32, #tpu.memory_space<vmem>>
        %dma_start3A_138 = arith.constant 0 : i32
        %dma_start3A_139 = tpu.memref_slice %arg8[%get3A_124, %dma_start3A_138, %mul3A_132] : memref<8x1024x4096xf32, #tpu.memory_space<any>> -> memref<1x1024x2048xf32, #tpu.memory_space<any>>
        %dma_start3A_140 = tpu.memref_squeeze %dma_start3A_139 : memref<1x1024x2048xf32, #tpu.memory_space<any>> -> memref<1024x2048xf32, #tpu.memory_space<any>>
        tpu.enqueue_dma source(%dma_start3A_140 : memref<1024x2048xf32, #tpu.memory_space<any>>) target(%dma_start3A_137 : memref<1024x2048xf32, #tpu.memory_space<vmem>>) target_semaphore(%dma_start3A_133 : memref<!tpu.dma_semaphore, #tpu.memory_space<semaphore_mem>>)
        %mul3A_141 = arith.constant 2048 : i32
        %mul3A_142 = arith.muli %arg0, %mul3A_141 : i32
        %dma_start3A_143 = tpu.memref_slice %arg17[%sub3A_130] : memref<2x!tpu.dma_semaphore, #tpu.memory_space<semaphore_mem>> -> memref<1x!tpu.dma_semaphore, #tpu.memory_space<semaphore_mem>>
        %dma_start3A_144 = tpu.memref_squeeze %dma_start3A_143 : memref<1x!tpu.dma_semaphore, #tpu.memory_space<semaphore_mem>> -> memref<!tpu.dma_semaphore, #tpu.memory_space<semaphore_mem>>
        %dma_start3A_145 = arith.constant 0 : i32
        %dma_start3A_146 = arith.constant 0 : i32
        %dma_start3A_147 = tpu.memref_slice %arg15[%sub3A_130, %dma_start3A_145, %dma_start3A_146] : memref<2x2048x1024xf32, #tpu.memory_space<vmem>> -> memref<1x2048x1024xf32, #tpu.memory_space<vmem>>
        %dma_start3A_148 = tpu.memref_squeeze %dma_start3A_147 : memref<1x2048x1024xf32, #tpu.memory_space<vmem>> -> memref<2048x1024xf32, #tpu.memory_space<vmem>>
        %dma_start3A_149 = arith.constant 0 : i32
        %dma_start3A_150 = tpu.memref_slice %arg10[%get3A_124, %mul3A_142, %dma_start3A_149] : memref<8x4096x1024xf32, #tpu.memory_space<any>> -> memref<1x2048x1024xf32, #tpu.memory_space<any>>
        %dma_start3A_151 = tpu.memref_squeeze %dma_start3A_150 : memref<1x2048x1024xf32, #tpu.memory_space<any>> -> memref<2048x1024xf32, #tpu.memory_space<any>>
        tpu.enqueue_dma source(%dma_start3A_151 : memref<2048x1024xf32, #tpu.memory_space<any>>) target(%dma_start3A_148 : memref<2048x1024xf32, #tpu.memory_space<vmem>>) target_semaphore(%dma_start3A_144 : memref<!tpu.dma_semaphore, #tpu.memory_space<semaphore_mem>>)
      } else {
      }
    } else {
    }
    %get3A_21 = arith.constant 0 : index
    %get3A_22 = arith.constant 0 : index
    %get3A_23 = vector.load %arg4[%get3A_21, %get3A_22] : memref<128x1024xf32, #tpu.memory_space<vmem>>, vector<128x1024xf32>
    %reduce_sum3A = arith.constant dense<0.000000e+00> : vector<128xf32>
    %reduce_sum3A_24 = vector.multi_reduction <add>, %get3A_23, %reduce_sum3A [1] : vector<128x1024xf32> to vector<128xf32>
    %broadcast_in_dim3A = vector.shape_cast %reduce_sum3A_24 : vector<128xf32> to vector<128x1xf32>
    %div3A = arith.constant 1.024000e+03 : f32
    %div3A_25 = vector.broadcast %div3A : f32 to vector<128x1xf32>
    %div3A_26 = arith.divf %broadcast_in_dim3A, %div3A_25 : vector<128x1xf32>
    %sub3A_27 = vector.broadcast %div3A_26 : vector<128x1xf32> to vector<128x1024xf32>
    %sub3A_28 = arith.subf %get3A_23, %sub3A_27 : vector<128x1024xf32>
    %sub3A_29 = vector.broadcast %div3A_26 : vector<128x1xf32> to vector<128x1024xf32>
    %sub3A_30 = arith.subf %get3A_23, %sub3A_29 : vector<128x1024xf32>
    %mul3A = arith.mulf %sub3A_28, %sub3A_30 : vector<128x1024xf32>
    %reduce_sum3A_31 = arith.constant dense<0.000000e+00> : vector<128xf32>
    %reduce_sum3A_32 = vector.multi_reduction <add>, %mul3A, %reduce_sum3A_31 [1] : vector<128x1024xf32> to vector<128xf32>
    %broadcast_in_dim3A_33 = vector.shape_cast %reduce_sum3A_32 : vector<128xf32> to vector<128x1xf32>
    %div3A_34 = arith.constant 1.024000e+03 : f32
    %div3A_35 = vector.broadcast %div3A_34 : f32 to vector<128x1xf32>
    %div3A_36 = arith.divf %broadcast_in_dim3A_33, %div3A_35 : vector<128x1xf32>
    %sub3A_37 = vector.broadcast %div3A_26 : vector<128x1xf32> to vector<128x1024xf32>
    %sub3A_38 = arith.subf %get3A_23, %sub3A_37 : vector<128x1024xf32>
    %add3A = arith.constant 9.99999974E-6 : f32
    %add3A_39 = vector.broadcast %add3A : f32 to vector<128x1xf32>
    %add3A_40 = arith.addf %div3A_36, %add3A_39 : vector<128x1xf32>
    %rsqrt3A = math.rsqrt %add3A_40 : vector<128x1xf32>
    %mul3A_41 = vector.broadcast %rsqrt3A : vector<128x1xf32> to vector<128x1024xf32>
    %mul3A_42 = arith.mulf %sub3A_38, %mul3A_41 : vector<128x1024xf32>
    %get3A_43 = arith.constant 0 : index
    %get3A_44 = arith.constant 0 : index
    %get3A_45 = arith.constant 0 : index
    %get3A_46 = vector.load %arg6[%get3A_43, %get3A_44, %get3A_45] : memref<1x1x1024xf32, #tpu.memory_space<vmem>>, vector<1x1x1024xf32>
    %get3A_47 = vector.shape_cast %get3A_46 : vector<1x1x1024xf32> to vector<1x1024xf32>
    %mul3A_48 = vector.broadcast %get3A_47 : vector<1x1024xf32> to vector<128x1024xf32>
    %mul3A_49 = arith.mulf %mul3A_42, %mul3A_48 : vector<128x1024xf32>
    %get3A_50 = arith.constant 0 : index
    %get3A_51 = arith.constant 0 : index
    %get3A_52 = arith.constant 0 : index
    %get3A_53 = vector.load %arg7[%get3A_50, %get3A_51, %get3A_52] : memref<1x1x1024xf32, #tpu.memory_space<vmem>>, vector<1x1x1024xf32>
    %get3A_54 = vector.shape_cast %get3A_53 : vector<1x1x1024xf32> to vector<1x1024xf32>
    %add3A_55 = vector.broadcast %get3A_54 : vector<1x1024xf32> to vector<128x1024xf32>
    %add3A_56 = arith.addf %mul3A_49, %add3A_55 : vector<128x1024xf32>
    %get3A_57 = arith.index_cast %get3A_14 : i32 to index
    %get3A_58 = arith.constant 0 : index
    %get3A_59 = arith.constant 0 : index
    %get3A_60 = vector.load %arg14[%get3A_57, %get3A_58, %get3A_59] : memref<2x1024x2048xf32, #tpu.memory_space<vmem>>, vector<1x1024x2048xf32>
    %get3A_61 = vector.shape_cast %get3A_60 : vector<1x1024x2048xf32> to vector<1024x2048xf32>
    %dot_general3A = arith.constant dense<0.000000e+00> : vector<128x2048xf32>
    %dot_general3A_62 = tpu.matmul %add3A_56, %get3A_61, %dot_general3A {dimension_numbers = #tpu.dot_dimension_numbers<[1], [0], [0], [1], [0, 0, 1, 1], [], []>, transpose_lhs_hint = false} : vector<128x1024xf32>, vector<1024x2048xf32>, vector<128x2048xf32> -> vector<128x2048xf32>
    %get3A_63 = arith.constant 0 : index
    %get3A_64 = arith.constant 0 : index
    %get3A_65 = arith.constant 0 : index
    %get3A_66 = vector.load %arg9[%get3A_63, %get3A_64, %get3A_65] : memref<1x1x2048xf32, #tpu.memory_space<vmem>>, vector<1x1x2048xf32>
    %get3A_67 = vector.shape_cast %get3A_66 : vector<1x1x2048xf32> to vector<1x2048xf32>
    %add3A_68 = vector.broadcast %get3A_67 : vector<1x2048xf32> to vector<128x2048xf32>
    %add3A_69 = arith.addf %dot_general3A_62, %add3A_68 : vector<128x2048xf32>
    %max3A_70 = arith.constant 0.000000e+00 : f32
    %max3A_71 = vector.broadcast %max3A_70 : f32 to vector<128x2048xf32>
    %max3A_72 = arith.maximumf %add3A_69, %max3A_71 : vector<128x2048xf32>
    %get3A_73 = arith.index_cast %get3A_14 : i32 to index
    %get3A_74 = arith.constant 0 : index
    %get3A_75 = arith.constant 0 : index
    %get3A_76 = vector.load %arg15[%get3A_73, %get3A_74, %get3A_75] : memref<2x2048x1024xf32, #tpu.memory_space<vmem>>, vector<1x2048x1024xf32>
    %get3A_77 = vector.shape_cast %get3A_76 : vector<1x2048x1024xf32> to vector<2048x1024xf32>
    %dot_general3A_78 = arith.constant dense<0.000000e+00> : vector<128x1024xf32>
    %dot_general3A_79 = tpu.matmul %max3A_72, %get3A_77, %dot_general3A_78 {dimension_numbers = #tpu.dot_dimension_numbers<[1], [0], [0], [1], [0, 0, 1, 1], [], []>, transpose_lhs_hint = false} : vector<128x2048xf32>, vector<2048x1024xf32>, vector<128x1024xf32> -> vector<128x1024xf32>
    %eq3A_80 = arith.constant 0 : i32
    %eq3A_81 = arith.cmpi eq, %arg0, %eq3A_80 : i32
    %convert_element_type3A_82 = arith.extui %eq3A_81 : i1 to i32
    %cond3A_83 = arith.constant 0 : i32
    %cond3A_84 = arith.cmpi ne, %convert_element_type3A_82, %cond3A_83 : i32
    scf.if %cond3A_84 {
      %mul3A_97 = arith.constant 128 : i32
      %mul3A_98 = arith.muli %arg1, %mul3A_97 : i32
      %swap3A = arith.index_cast %mul3A_98 : i32 to index
      %swap3A_99 = arith.constant 0 : index
      %swap3A_100 = vector.load %arg13[%swap3A, %swap3A_99] : memref<3072x1024xf32, #tpu.memory_space<vmem>>, vector<128x1024xf32>
      tpu.vector_store %arg13[%swap3A, %swap3A_99], %dot_general3A_79 {strides = array<i32>} : memref<3072x1024xf32, #tpu.memory_space<vmem>>, vector<128x1024xf32>,
    } else {
    }
    %gt3A_85 = arith.constant 0 : i32
    %gt3A_86 = arith.cmpi sgt, %arg0, %gt3A_85 : i32
    %lt3A = arith.constant 1 : i32
    %lt3A_87 = arith.cmpi slt, %arg0, %lt3A : i32
    %and3A_88 = arith.andi %gt3A_86, %lt3A_87 : i1
    %convert_element_type3A_89 = arith.extui %and3A_88 : i1 to i32
    %cond3A_90 = arith.constant 0 : i32
    %cond3A_91 = arith.cmpi ne, %convert_element_type3A_89, %cond3A_90 : i32
    scf.if %cond3A_91 {
      %mul3A_97 = arith.constant 128 : i32
      %mul3A_98 = arith.muli %arg1, %mul3A_97 : i32
      %get3A_99 = arith.index_cast %mul3A_98 : i32 to index
      %get3A_100 = arith.constant 0 : index
      %get3A_101 = vector.load %arg13[%get3A_99, %get3A_100] : memref<3072x1024xf32, #tpu.memory_space<vmem>>, vector<128x1024xf32>
      %add3A_102 = arith.addf %get3A_101, %dot_general3A_79 : vector<128x1024xf32>
      %swap3A = arith.index_cast %mul3A_98 : i32 to index
      %swap3A_103 = arith.constant 0 : index
      %swap3A_104 = vector.load %arg13[%swap3A, %swap3A_103] : memref<3072x1024xf32, #tpu.memory_space<vmem>>, vector<128x1024xf32>
      tpu.vector_store %arg13[%swap3A, %swap3A_103], %add3A_102 {strides = array<i32>} : memref<3072x1024xf32, #tpu.memory_space<vmem>>, vector<128x1024xf32>,
    } else {
    }
    %eq3A_92 = arith.constant 1 : i32
    %eq3A_93 = arith.cmpi eq, %arg0, %eq3A_92 : i32
    %convert_element_type3A_94 = arith.extui %eq3A_93 : i1 to i32
    %cond3A_95 = arith.constant 0 : i32
    %cond3A_96 = arith.cmpi ne, %convert_element_type3A_94, %cond3A_95 : i32
    scf.if %cond3A_96 {
      %get3A_97 = arith.constant 0 : index
      %get3A_98 = arith.constant 0 : index
      %get3A_99 = vector.load %arg5[%get3A_97, %get3A_98] : memref<128x128xf32, #tpu.memory_space<vmem>>, vector<128x1xf32>
      %mul3A_100 = arith.constant 128 : i32
      %mul3A_101 = arith.muli %arg1, %mul3A_100 : i32
      %get3A_102 = arith.index_cast %mul3A_101 : i32 to index
      %get3A_103 = arith.constant 0 : index
      %get3A_104 = vector.load %arg13[%get3A_102, %get3A_103] : memref<3072x1024xf32, #tpu.memory_space<vmem>>, vector<128x1024xf32>
      %add3A_105 = arith.addf %get3A_104, %dot_general3A_79 : vector<128x1024xf32>
      %get3A_106 = arith.constant 0 : index
      %get3A_107 = arith.constant 0 : index
      %get3A_108 = arith.constant 0 : index
      %get3A_109 = vector.load %arg11[%get3A_106, %get3A_107, %get3A_108] : memref<1x1x1024xf32, #tpu.memory_space<vmem>>, vector<1x1x1024xf32>
      %get3A_110 = vector.shape_cast %get3A_109 : vector<1x1x1024xf32> to vector<1x1024xf32>
      %add3A_111 = vector.broadcast %get3A_110 : vector<1x1024xf32> to vector<128x1024xf32>
      %add3A_112 = arith.addf %add3A_105, %add3A_111 : vector<128x1024xf32>
      %mul3A_113 = vector.broadcast %get3A_99 : vector<128x1xf32> to vector<128x1024xf32>
      %mul3A_114 = arith.mulf %mul3A_113, %add3A_112 : vector<128x1024xf32>
      %add3A_115 = arith.addf %get3A_23, %mul3A_114 : vector<128x1024xf32>
      %swap3A = arith.constant 0 : index
      %swap3A_116 = arith.constant 0 : index
      %swap3A_117 = vector.load %arg12[%swap3A, %swap3A_116] : memref<128x1024xf32, #tpu.memory_space<vmem>>, vector<128x1024xf32>
      tpu.vector_store %arg12[%swap3A, %swap3A_116], %add3A_115 {strides = array<i32>} : memref<128x1024xf32, #tpu.memory_space<vmem>>, vector<128x1024xf32>,
    } else {
    }
    return
  }
  func.func @transform_0(%arg0: i32, %arg1: i32, %arg2: memref<1x128xi32, #tpu.memory_space<smem>>, %arg3: memref<1x8xi32, #tpu.memory_space<smem>>) -> (i32, i32) {
    %c0_i32 = arith.constant 0 : i32
    %c0_i32_0 = arith.constant 0 : i32
    return %arg1, %c0_i32 : i32, i32
  }
  func.func @transform_1(%arg0: i32, %arg1: i32, %arg2: memref<1x128xi32, #tpu.memory_space<smem>>, %arg3: memref<1x8xi32, #tpu.memory_space<smem>>) -> (i32, i32) {
    %c0_i32 = arith.constant 0 : i32
    %c0_i32_0 = arith.constant 0 : i32
    return %arg1, %c0_i32 : i32, i32
  }
  func.func @transform_2(%arg0: i32, %arg1: i32, %arg2: memref<1x128xi32, #tpu.memory_space<smem>>, %arg3: memref<1x8xi32, #tpu.memory_space<smem>>) -> (i32, i32, i32) {
    %get3A = arith.constant 0 : index
    %get3A_0 = arith.index_cast %arg1 : i32 to index
    %get3A_1 = memref.load %arg2[%get3A, %get3A_0] : memref<1x128xi32, #tpu.memory_space<smem>>
    %c0_i32 = arith.constant 0 : i32
    %c0_i32_2 = arith.constant 0 : i32
    %c0_i32_3 = arith.constant 0 : i32
    return %get3A_1, %c0_i32, %c0_i32_2 : i32, i32, i32
  }
  func.func @transform_3(%arg0: i32, %arg1: i32, %arg2: memref<1x128xi32, #tpu.memory_space<smem>>, %arg3: memref<1x8xi32, #tpu.memory_space<smem>>) -> (i32, i32, i32) {
    %get3A = arith.constant 0 : index
    %get3A_0 = arith.index_cast %arg1 : i32 to index
    %get3A_1 = memref.load %arg2[%get3A, %get3A_0] : memref<1x128xi32, #tpu.memory_space<smem>>
    %c0_i32 = arith.constant 0 : i32
    %c0_i32_2 = arith.constant 0 : i32
    %c0_i32_3 = arith.constant 0 : i32
    return %get3A_1, %c0_i32, %c0_i32_2 : i32, i32, i32
  }
  func.func @transform_5(%arg0: i32, %arg1: i32, %arg2: memref<1x128xi32, #tpu.memory_space<smem>>, %arg3: memref<1x8xi32, #tpu.memory_space<smem>>) -> (i32, i32, i32) {
    %get3A = arith.constant 0 : index
    %get3A_0 = arith.index_cast %arg1 : i32 to index
    %get3A_1 = memref.load %arg2[%get3A, %get3A_0] : memref<1x128xi32, #tpu.memory_space<smem>>
    %c0_i32 = arith.constant 0 : i32
    %c0_i32_2 = arith.constant 0 : i32
    return %get3A_1, %c0_i32, %arg0 : i32, i32, i32
  }
  func.func @transform_7(%arg0: i32, %arg1: i32, %arg2: memref<1x128xi32, #tpu.memory_space<smem>>, %arg3: memref<1x8xi32, #tpu.memory_space<smem>>) -> (i32, i32, i32) {
    %get3A = arith.constant 0 : index
    %get3A_0 = arith.index_cast %arg1 : i32 to index
    %get3A_1 = memref.load %arg2[%get3A, %get3A_0] : memref<1x128xi32, #tpu.memory_space<smem>>
    %c0_i32 = arith.constant 0 : i32
    %c0_i32_2 = arith.constant 0 : i32
    %c0_i32_3 = arith.constant 0 : i32
    return %get3A_1, %c0_i32, %c0_i32_2 : i32, i32, i32
  }
  func.func @transform_8(%arg0: i32, %arg1: i32, %arg2: memref<1x128xi32, #tpu.memory_space<smem>>, %arg3: memref<1x8xi32, #tpu.memory_space<smem>>) -> (i32, i32) {
    %eq3A = arith.constant 1 : i32
    %eq3A_0 = arith.cmpi eq, %arg0, %eq3A : i32
    %jit3A = arith.constant 0 : i32
    %select_n3A = arith.select %eq3A_0, %arg1, %jit3A : i32
    %c0_i32 = arith.constant 0 : i32
    %c0_i32_1 = arith.constant 0 : i32
    return %select_n3A, %c0_i32 : i32, i32
  }
}

module attributes {stable_mosaic.version = 14 : i64} {
  func.func @_route_body(%arg0: memref<2048x1024xf32, #tpu.memory_space<vmem>>, %arg1: memref<8x1024xf32, #tpu.memory_space<vmem>>, %arg2: memref<16x128xi32, #tpu.memory_space<vmem>>, %arg3: memref<2048x128xf32, #tpu.memory_space<vmem>>, %arg4: memref<1x128xi32, #tpu.memory_space<vmem>>, %arg5: memref<1x8xi32, #tpu.memory_space<vmem>>) attributes {dimension_semantics = [], scalar_prefetch = 0 : i64, scratch_operands = 0 : i64, tpu.core_type = #tpu.core_type<tc>} {
    %get3A = arith.constant 0 : index
    %get3A_0 = arith.constant 0 : index
    %get3A_1 = vector.load %arg0[%get3A, %get3A_0] : memref<2048x1024xf32, #tpu.memory_space<vmem>>, vector<2048x1024xf32>
    %get3A_2 = arith.constant 0 : index
    %get3A_3 = arith.constant 0 : index
    %get3A_4 = vector.load %arg1[%get3A_2, %get3A_3] : memref<8x1024xf32, #tpu.memory_space<vmem>>, vector<8x1024xf32>
    %dot_general3A = arith.constant dense<0.000000e+00> : vector<2048x8xf32>
    %dot_general3A_5 = tpu.matmul %get3A_1, %get3A_4, %dot_general3A {dimension_numbers = #tpu.dot_dimension_numbers<[1], [1], [0], [0], [0, 0, 1, 0], [], []>, transpose_lhs_hint = false} : vector<2048x1024xf32>, vector<8x1024xf32>, vector<2048x8xf32> -> vector<2048x8xf32>
    %reduce_max3A = arith.constant dense<0xFF800000> : vector<2048xf32>
    %reduce_max3A_6 = vector.multi_reduction <maximumf>, %dot_general3A_5, %reduce_max3A [1] : vector<2048x8xf32> to vector<2048xf32>
    %broadcast_in_dim3A = vector.shape_cast %reduce_max3A_6 : vector<2048xf32> to vector<2048x1xf32>
    %neg3A = arith.constant 0.000000e+00 : f32
    %neg3A_7 = vector.broadcast %neg3A : f32 to vector<2048x1xf32>
    %neg3A_8 = arith.subf %neg3A_7, %broadcast_in_dim3A : vector<2048x1xf32>
    %exp3A = math.exp %neg3A_8 : vector<2048x1xf32>
    %add3A = arith.constant 1.000000e+00 : f32
    %add3A_9 = vector.broadcast %add3A : f32 to vector<2048x1xf32>
    %add3A_10 = arith.addf %add3A_9, %exp3A : vector<2048x1xf32>
    %div3A = arith.constant 1.000000e+00 : f32
    %div3A_11 = vector.broadcast %div3A : f32 to vector<2048x1xf32>
    %div3A_12 = arith.divf %div3A_11, %add3A_10 : vector<2048x1xf32>
    %broadcast_in_dim3A_13 = vector.shape_cast %div3A_12 : vector<2048x1xf32> to vector<2048x1xf32>
    %broadcast_in_dim3A_14 = vector.broadcast %broadcast_in_dim3A_13 : vector<2048x1xf32> to vector<2048x128xf32>
    %swap3A = arith.constant 0 : index
    %swap3A_15 = arith.constant 0 : index
    %swap3A_16 = vector.load %arg3[%swap3A, %swap3A_15] : memref<2048x128xf32, #tpu.memory_space<vmem>>, vector<2048x128xf32>
    tpu.vector_store %arg3[%swap3A, %swap3A_15], %broadcast_in_dim3A_14 {strides = array<i32>} : memref<2048x128xf32, #tpu.memory_space<vmem>>, vector<2048x128xf32>,
    %iota3A = tpu.iota {dimensions = array<i32: 1>} : vector<2048x8xi32>
    %eq3A = vector.broadcast %broadcast_in_dim3A : vector<2048x1xf32> to vector<2048x8xf32>
    %eq3A_17 = arith.cmpf oeq, %dot_general3A_5, %eq3A : vector<2048x8xf32>
    %jit3A = arith.constant 8 : i32
    %broadcast_in_dim3A_18 = vector.broadcast %jit3A : i32 to vector<2048x8xi32>
    %select_n3A = arith.select %eq3A_17, %iota3A, %broadcast_in_dim3A_18 : vector<2048x8xi1>, vector<2048x8xi32>
    %reduce_min3A = arith.constant dense<2147483647> : vector<2048xi32>
    %reduce_min3A_19 = vector.multi_reduction <minsi>, %select_n3A, %reduce_min3A [1] : vector<2048x8xi32> to vector<2048xi32>
    %broadcast_in_dim3A_20 = vector.shape_cast %reduce_min3A_19 : vector<2048xi32> to vector<2048x1xi32>
    %eq3A_21 = vector.broadcast %broadcast_in_dim3A_20 : vector<2048x1xi32> to vector<2048x8xi32>
    %eq3A_22 = arith.cmpi eq, %iota3A, %eq3A_21 : vector<2048x8xi32>
    %convert_element_type3A = arith.extui %eq3A_22 : vector<2048x8xi1> to vector<2048x8xi32>
    %convert_element_type3A_23 = arith.sitofp %convert_element_type3A : vector<2048x8xi32> to vector<2048x8xf32>
    %iota3A_24 = tpu.iota {dimensions = array<i32: 1>} : vector<2048x2048xi32>
    %iota3A_25 = tpu.iota {dimensions = array<i32: 0>} : vector<2048x2048xi32>
    %le3A = arith.cmpi sle, %iota3A_24, %iota3A_25 : vector<2048x2048xi32>
    %convert_element_type3A_26 = arith.extui %le3A : vector<2048x2048xi1> to vector<2048x2048xi32>
    %convert_element_type3A_27 = arith.sitofp %convert_element_type3A_26 : vector<2048x2048xi32> to vector<2048x2048xf32>
    %dot_general3A_28 = arith.constant dense<0.000000e+00> : vector<2048x8xf32>
    %dot_general3A_29 = tpu.matmul %convert_element_type3A_27, %convert_element_type3A_23, %dot_general3A_28 {dimension_numbers = #tpu.dot_dimension_numbers<[1], [0], [0], [1], [0, 0, 1, 1], [], []>, transpose_lhs_hint = false} : vector<2048x2048xf32>, vector<2048x8xf32>, vector<2048x8xf32> -> vector<2048x8xf32>
    %slice3A = vector.extract_strided_slice %dot_general3A_29 {offsets = [2047, 0], sizes = [1, 8], strides = [1, 1]} : vector<2048x8xf32> to vector<1x8xf32>
    %mul3A = arith.mulf %dot_general3A_29, %convert_element_type3A_23 : vector<2048x8xf32>
    %reduce_sum3A = arith.constant dense<0.000000e+00> : vector<2048xf32>
    %reduce_sum3A_30 = vector.multi_reduction <add>, %mul3A, %reduce_sum3A [1] : vector<2048x8xf32> to vector<2048xf32>
    %broadcast_in_dim3A_31 = vector.shape_cast %reduce_sum3A_30 : vector<2048xf32> to vector<2048x1xf32>
    %sub3A = arith.constant 1.000000e+00 : f32
    %sub3A_32 = vector.broadcast %sub3A : f32 to vector<2048x1xf32>
    %sub3A_33 = arith.subf %broadcast_in_dim3A_31, %sub3A_32 : vector<2048x1xf32>
    %mul3A_34 = arith.constant 7.812500e-03 : f32
    %mul3A_35 = vector.broadcast %mul3A_34 : f32 to vector<1x8xf32>
    %mul3A_36 = arith.mulf %slice3A, %mul3A_35 : vector<1x8xf32>
    %ceil3A = math.ceil %mul3A_36 : vector<1x8xf32>
    %broadcast_in_dim3A_37 = vector.shape_cast %ceil3A : vector<1x8xf32> to vector<1x8xf32>
    %broadcast_in_dim3A_38 = vector.broadcast %broadcast_in_dim3A_37 : vector<1x8xf32> to vector<8x8xf32>
    %iota3A_39 = tpu.iota {dimensions = array<i32: 1>} : vector<8x8xi32>
    %iota3A_40 = tpu.iota {dimensions = array<i32: 0>} : vector<8x8xi32>
    %lt3A = arith.cmpi slt, %iota3A_39, %iota3A_40 : vector<8x8xi32>
    %convert_element_type3A_41 = arith.extui %lt3A : vector<8x8xi1> to vector<8x8xi32>
    %convert_element_type3A_42 = arith.sitofp %convert_element_type3A_41 : vector<8x8xi32> to vector<8x8xf32>
    %mul3A_43 = arith.mulf %broadcast_in_dim3A_38, %convert_element_type3A_42 : vector<8x8xf32>
    %reduce_sum3A_44 = arith.constant dense<0.000000e+00> : vector<8xf32>
    %reduce_sum3A_45 = vector.multi_reduction <add>, %mul3A_43, %reduce_sum3A_44 [1] : vector<8x8xf32> to vector<8xf32>
    %broadcast_in_dim3A_46 = vector.shape_cast %reduce_sum3A_45 : vector<8xf32> to vector<8x1xf32>
    %mul3A_47 = arith.constant 1.280000e+02 : f32
    %mul3A_48 = vector.broadcast %mul3A_47 : f32 to vector<8x1xf32>
    %mul3A_49 = arith.mulf %broadcast_in_dim3A_46, %mul3A_48 : vector<8x1xf32>
    %dot_general3A_50 = arith.constant dense<0.000000e+00> : vector<2048x1xf32>
    %dot_general3A_51 = tpu.matmul %convert_element_type3A_23, %mul3A_49, %dot_general3A_50 {dimension_numbers = #tpu.dot_dimension_numbers<[1], [0], [0], [1], [0, 0, 1, 1], [], []>, transpose_lhs_hint = false} : vector<2048x8xf32>, vector<8x1xf32>, vector<2048x1xf32> -> vector<2048x1xf32>
    %add3A_52 = arith.addf %dot_general3A_51, %sub3A_33 : vector<2048x1xf32>
    %convert_element_type3A_53 = arith.fptosi %add3A_52 : vector<2048x1xf32> to vector<2048x1xi32>
    %reshape3A = vector.shape_cast %convert_element_type3A_53 : vector<2048x1xi32> to vector<16x128xi32>
    %swap3A_54 = arith.constant 0 : index
    %swap3A_55 = arith.constant 0 : index
    %swap3A_56 = vector.load %arg2[%swap3A_54, %swap3A_55] : memref<16x128xi32, #tpu.memory_space<vmem>>, vector<16x128xi32>
    tpu.vector_store %arg2[%swap3A_54, %swap3A_55], %reshape3A {strides = array<i32>} : memref<16x128xi32, #tpu.memory_space<vmem>>, vector<16x128xi32>,
    %broadcast_in_dim3A_57 = vector.shape_cast %broadcast_in_dim3A_46 : vector<8x1xf32> to vector<8x1xf32>
    %broadcast_in_dim3A_58 = vector.broadcast %broadcast_in_dim3A_57 : vector<8x1xf32> to vector<8x128xf32>
    %iota3A_59 = tpu.iota {dimensions = array<i32: 1>} : vector<8x128xi32>
    %convert_element_type3A_60 = arith.sitofp %iota3A_59 : vector<8x128xi32> to vector<8x128xf32>
    %le3A_61 = arith.cmpf ole, %broadcast_in_dim3A_58, %convert_element_type3A_60 : vector<8x128xf32>
    %convert_element_type3A_62 = arith.extui %le3A_61 : vector<8x128xi1> to vector<8x128xi32>
    %convert_element_type3A_63 = arith.sitofp %convert_element_type3A_62 : vector<8x128xi32> to vector<8x128xf32>
    %reduce_sum3A_64 = arith.constant dense<0.000000e+00> : vector<128xf32>
    %reduce_sum3A_65 = vector.multi_reduction <add>, %convert_element_type3A_63, %reduce_sum3A_64 [0] : vector<8x128xf32> to vector<128xf32>
    %broadcast_in_dim3A_66 = vector.shape_cast %reduce_sum3A_65 : vector<128xf32> to vector<1x128xf32>
    %convert_element_type3A_67 = arith.fptosi %broadcast_in_dim3A_66 : vector<1x128xf32> to vector<1x128xi32>
    %sub3A_68 = arith.constant 1 : i32
    %sub3A_69 = vector.broadcast %sub3A_68 : i32 to vector<1x128xi32>
    %sub3A_70 = arith.subi %convert_element_type3A_67, %sub3A_69 : vector<1x128xi32>
    %swap3A_71 = arith.constant 0 : index
    %swap3A_72 = arith.constant 0 : index
    %swap3A_73 = vector.load %arg4[%swap3A_71, %swap3A_72] : memref<1x128xi32, #tpu.memory_space<vmem>>, vector<1x128xi32>
    tpu.vector_store %arg4[%swap3A_71, %swap3A_72], %sub3A_70 {strides = array<i32>} : memref<1x128xi32, #tpu.memory_space<vmem>>, vector<1x128xi32>,
    %convert_element_type3A_74 = arith.fptosi %ceil3A : vector<1x8xf32> to vector<1x8xi32>
    %swap3A_75 = arith.constant 0 : index
    %swap3A_76 = arith.constant 0 : index
    %swap3A_77 = vector.load %arg5[%swap3A_75, %swap3A_76] : memref<1x8xi32, #tpu.memory_space<vmem>>, vector<1x8xi32>
    tpu.vector_store %arg5[%swap3A_75, %swap3A_76], %convert_element_type3A_74 {strides = array<i32>} : memref<1x8xi32, #tpu.memory_space<vmem>>, vector<1x8xi32>,
    return
  }
}

</mosaic_0001>

<sc_bundles>
// kernel: kernel.6.cloned.1.call-start
scs
__scs_entry_jumppad:
0x0: {  	(pc) =	sbr.rel $0x88, $3  }
0x1: {  	(tag) =	ssettag $0x0;
	lr =	simm.s32 $0x1  }
0x2: {  	[smem:$0x3F99] =	sst lr;
	_ =	strace $0xD0000000  }
0x3: {  	_ = 	snop  }
0x4: {  	_ = 	snop  }
0x5: {  	_ = 	snop  }
0x6: {  	_ = 	snop  }
0x7: {  	_ = 	snop  }
__scs_overlays_trampoline_lowered:
0x8: {  	[smem:$0x3FA8] =	sst s0  }
0x9: {  	[smem:$0x3FA9] =	sst s1  }
0xa: {  	[smem:$0x3FAA] =	sst s2  }
0xb: {  	[smem:$0x3FAB] =	sst s3  }
0xc: {  	[smem:$0x3FAC] =	sst s4  }
0xd: {  	[smem:$0x3FAD] =	sst s5  }
0xe: {  	[smem:$0x3FAE] =	sst s6  }
0xf: {  	[smem:$0x3FAF] =	sst s7  }
0x10: {  	[smem:$0x3FB0] =	sst s8  }
0x11: {  	[smem:$0x3FB1] =	sst s9;
	s0 =	simm.s32 @!p0 $0x0  }
0x12: {  	s1 =	sld [smem:$0x3F97];
	s0 =	simm.s32 @p0 $0x1  }
0x13: {  	[smem:$0x3FB2] =	sst s0;
	s0 =	simm.s32 @!p1 $0x0  }
0x14: {  	s2 =	sld [smem:$0x3F96];
	s0 =	simm.s32 @p1 $0x1  }
0x15: {  	[smem:$0x3FB3] =	sst s0;
	s0 =	simm.s32 @!p2 $0x0  }
0x16: {  	s3 =	sld [smem:$0x3FDB];
	s0 =	simm.s32 @p2 $0x1  }
0x17: {  	s4 =	simm.s32 $0x1BF5;
	[smem:$0x3FB5] =	sst s0  }
0x18: {  	s0 =	sld [smem:$0x3F98];
	_ =	swait.ge [sflag:s4], $0x0  }
0x19: {  	s7 =	sld [smem:$0x3F99]  }
0x1a: {  	s8 =	sadd.s32 $0xFFFFE003, lr  }
0x1b: {  	s9 =	sadd.s32 $0xFFFFFEF7, lr;
	s5 =	simm.s32 $0xFFFFFFFF;
	p2 =	slt.u32 s8, $0xFFFFF086  }
0x1c: {  	p1 =	slt.u32 s9, $0xF7A;
	s5 =	simm.s32 @!p2 $0x0  }
0x1d: {  	s5 =	simm.s32 @p1 $0x1;
	p0 =	seq.s32 s7, s2  }
0x1e: {  	s7 =	smul.u32 @!p0 $0xF7A, s2;
	p2 =	seq.s32 @!p0 s5, $0x0  }
0x1f: {  	s9 =	smul.u32 $0xF7A, s1;
	s8 =	simm.s32 @!p0 $0x1BF5;
	p2 =	por !p2, p0  }
0x20: {  	[sflag:s8] =	ssyncset.s32 @!p0 $0xFFFFF086;
	s6 =	sadd.s32 @!p0 s3, s7;
	s7 =	simm.s32 @!p0 $0x108  }
0x21: {  	s3 =	sadd.s32 s3, s9;
	s6 =	sadd.s32 @!p0 $0x88, s6;
	s7 =	simm.s32 @p2 $0x1082  }
0x22: {  	[simem:s7], [sflag:s8] =	dma.local @!p0 [hbm:s6], $0xF7A  }
0x23: {  	s9 =	sor.u32 $0xD0000000, s2;
	s6 =	simm.s32 $0x108;
	_ =	swait.ge @!p0 [sflag:s8], $0x0  }
0x24: {  	s3 =	sadd.s32 $0x88, s3;
	s6 =	simm.s32 @!p1 $0x1082;
	[sflag:s4] =	ssyncset.s32 $0xFFFFF086  }
0x25: {  	[simem:s6], [sflag:s4] =	dma.local [hbm:s3], $0xF7A  }
0x26: {  	[smem:$0x3F99] =	sst s1;
	(tag) =	ssettag s2;
	_ =	strace s9  }
0x27: {  	s1 =	sld [smem:$0x3FA9]  }
0x28: {  	s2 =	sld [smem:$0x3FAA]  }
0x29: {  	s4 =	sld [smem:$0x3FAC]  }
0x2a: {  	p0 =	seq.s32 s5, $0x0;
	s5 =	sld [smem:$0x3FAD]  }
0x2b: {  	s6 =	sld [smem:$0x3FAE]  }
0x2c: {  	s7 =	sld [smem:$0x3FAF]  }
0x2d: {  	s3 =	simm.s32 $0x108;
	s8 =	sld [smem:$0x3FB0]  }
0x2e: {  	s3 =	simm.s32 @!p0 $0x1082;
	s9 =	sld [smem:$0x3FB1]  }
0x2f: {  	lr =	sadd.s32 s0, s3;
	s0 =	sld [smem:$0x3FA8]  }
0x30: {  	s3 =	sld [smem:$0x3FAB]  }
0x31: {  	[smem:$0x3FB4] =	sst s10  }
0x32: {  	s10 =	sld [smem:$0x3FB2];
	_ =	sdelay $0x3  }
0x33: {  	p0 =	seq.s32 s10, $0x1;
	s10 =	sld [smem:$0x3FB4];
	_ =	sdelay $0x3  }
0x34: {  	[smem:$0x3FB4] =	sst s10  }
0x35: {  	s10 =	sld [smem:$0x3FB3];
	_ =	sdelay $0x3  }
0x36: {  	p1 =	seq.s32 s10, $0x1;
	s10 =	sld [smem:$0x3FB4];
	_ =	sdelay $0x3  }
0x37: {  	[smem:$0x3FB4] =	sst s10  }
0x38: {  	s10 =	sld [smem:$0x3FB5]  }
0x39: {  	_ = 	snop;
	(pc) =	sbr.ind lr, $3  }
0x3a: {  	_ = 	snop  }
0x3b: {  	_ = 	snop  }
0x3c: {  	p2 =	seq.s32 s10, $0x1;
	s10 =	sld [smem:$0x3FB4]  }
0x3d: {  	_ =	shalt  }
0x3e: {  	_ =	shalt  }
0x3f: {  	_ =	shalt  }
0x40: {  	_ =	shalt  }
0x41: {  	_ =	shalt  }
0x42: {  	_ =	shalt  }
0x43: {  	_ =	shalt  }
0x44: {  	_ =	shalt  }
0x45: {  	_ =	shalt  }
0x46: {  	_ =	shalt  }
0x47: {  	_ =	shalt  }
0x48: {  	_ =	shalt  }
0x49: {  	_ =	shalt  }
0x4a: {  	_ =	shalt  }
0x4b: {  	_ =	shalt  }
0x4c: {  	_ =	shalt  }
0x4d: {  	_ =	shalt  }
0x4e: {  	_ =	shalt  }
0x4f: {  	_ =	shalt  }
0x50: {  	_ =	shalt  }
0x51: {  	_ =	shalt  }
0x52: {  	_ =	shalt  }
0x53: {  	_ =	shalt  }
0x54: {  	_ =	shalt  }
0x55: {  	_ =	shalt  }
0x56: {  	_ =	shalt  }
0x57: {  	_ =	shalt  }
0x58: {  	_ =	shalt  }
0x59: {  	_ =	shalt  }
0x5a: {  	_ =	shalt  }
0x5b: {  	_ =	shalt  }
0x5c: {  	_ =	shalt  }
0x5d: {  	_ =	shalt  }
0x5e: {  	_ =	shalt  }
0x5f: {  	_ =	shalt  }
0x60: {  	_ =	shalt  }
0x61: {  	_ =	shalt  }
0x62: {  	_ =	shalt  }
0x63: {  	_ =	shalt  }
0x64: {  	_ =	shalt  }
0x65: {  	_ =	shalt  }
0x66: {  	_ =	shalt  }
0x67: {  	_ =	shalt  }
0x68: {  	_ =	shalt  }
0x69: {  	_ =	shalt  }
0x6a: {  	_ =	shalt  }
0x6b: {  	_ =	shalt  }
0x6c: {  	_ =	shalt  }
0x6d: {  	_ =	shalt  }
0x6e: {  	_ =	shalt  }
0x6f: {  	_ =	shalt  }
0x70: {  	_ =	shalt  }
0x71: {  	_ =	shalt  }
0x72: {  	_ =	shalt  }
0x73: {  	_ =	shalt  }
0x74: {  	_ =	shalt  }
0x75: {  	_ =	shalt  }
0x76: {  	_ =	shalt  }
0x77: {  	_ =	shalt  }
0x78: {  	_ =	shalt  }
0x79: {  	_ =	shalt  }
0x7a: {  	_ =	shalt  }
0x7b: {  	_ =	shalt  }
0x7c: {  	_ =	shalt  }
0x7d: {  	_ =	shalt  }
0x7e: {  	_ =	shalt  }
0x7f: {  	_ =	shalt  }
0x80: {  	_ =	shalt  }
0x81: {  	_ =	shalt  }
0x82: {  	_ =	shalt  }
0x83: {  	_ =	shalt  }
0x84: {  	_ =	shalt  }
0x85: {  	_ =	shalt  }
0x86: {  	_ =	shalt  }
0x87: {  	_ =	shalt  }
.Lfunc_end0:
.L_simem_size_0:
called_computation_lowered:
.L_overlay_start_0:
0x88: {  	s2 =	sld [smem:$0x3FD9]  }
0x89: {  	s3 =	sld [smem:$0x3FFE];
	_ =	sdelay $0x1  }
0x8a: {  	s1 =	srdreg.scid  }
0x8b: {  	s0 =	sand.u32 $0x1, s1  }
0x8c: {  	s17 =	sshll.u32 s0, $0xA;
	s2 =	sadd.s32 s3, s2  }
0x8d: {  	s2 =	sadd.s32 s2, s17  }
0x8e: {  	[smem:$0x3FC0] =	sst s2  }
0x8f: {  	_ = 	snop  }
0x90: {  	s2 =	sld [smem:$0x3FD0];
	(tm) =	ssettm $0x1  }
0x91: {  	s18 =	sld [smem:$0x3FFB];
	_ =	sdelay $0x3  }
0x92: {  	_ =	strace s18  }
0x93: {  	s3 =	sld [smem:$0x3FFC];
	_ =	sdelay $0x3  }
0x94: {  	_ =	strace s3  }
0x95: {  	s3 =	sld [smem:$0x3FFD];
	_ =	sdelay $0x3  }
0x96: {  	_ =	strace s3  }
0x97: {  	_ =	strace $0x8FFFFFFF  }
0x98: {  	s19 =	sld [smem:$0x3FDB];
	_ =	sdelay $0x1  }
0x99: {  	s4 =	simm.s32 $_scs_section_size  }
0x9a: {  	s5 =	simm.s32 $_size__tile_overlayer_lowered;
	s6 =	simm.s32 $_tile_overlayer_lowered  }
0x9b: {  	s22 =	simm.s32 $0x1BFF;
	s21 =	sshll.u32 s6, $0x1;
	s3 =	sadd.s32 s4, s19  }
0x9c: {  	s7 =	simm.s32 $0x0;
	s20 =	sshll.u32 s5, $0x1;
	s5 =	sadd.s32 s21, s3  }
0x9d: {  	[timem:s7], [sflag:s22] =	dma.local [hbm:s5], s20  }
0x9e: {  	_ =	swait.ge [sflag:s22], s20  }
0x9f: {  	s4 =	ssub.s32 $0x0, s20;
	[sflag:s22] =	ssyncset.done $0x0  }
0xa0: {  	[sflag:s22] =	ssyncadd.s32 s4;
	_ =	sdelay $0x1  }
0xa1: {  	s23 =	simm.s32 $0x1B8B  }
0xa2: {  	_ =	swait.ge [sflag:s23], $0x1  }
0xa3: {  	[sflag:s23] =	ssyncset.done $0x0  }
0xa4: {  	s25 =	simm.s32 $0x1B8E;
	s24 =	sld [smem:$0x3FFE];
	[sflag:s23] =	ssyncadd.s32 $0xFFFFFFFF  }
0xa5: {  	s26 =	simm.s32 $execute0_lowered;
	[smem:$0x3FD2] =	sst s25  }
0xa6: {  	s5 =	sshll.u32 s26, $0x1;
	_ =	strace $0x80000046;
	[dreg:$0x1] =	wrdreg $0xFFFFFFFF  }
0xa7: {  	s28 =	simm.s32 $_size_execute0_lowered;
	s3 =	sadd.s32 s3, s5;
	[dreg:$0x0] =	wrdreg $0x0  }
0xa8: {  	s5 =	sshll.u32 s28, $0x1;
	[dreg:$0x2] =	wrdreg s3  }
0xa9: {  	[dreg:$0x3] =	wrdreg s5  }
0xaa: {  	[dreg:$0x4] =	wrdreg $0xC0  }
0xab: {  	_ =	task [dreg:s7], $0x5FFFF  }
0xac: {  	[dreg:$0x1] =	wrdreg $0xFFFFFFFF  }
0xad: {  	[dreg:$0x0] =	wrdreg $0x60  }
0xae: {  	[dreg:$0x2] =	wrdreg s2  }
0xaf: {  	[dreg:$0x3] =	wrdreg s24  }
0xb0: {  	[dreg:$0x4] =	wrdreg $0x9  }
0xb1: {  	_ =	task.clear_ibuf [dreg:s7], $0x5FFFF;
	_ =	strace $0x90000046  }
0xb2: {  	s29 =	simm.s32 $0x9;
	_ =	strace $0x80000048  }
0xb3: {  	_ =	swait.ge [sflag:s29], $0x1  }
0xb4: {  	[sflag:s29] =	ssyncadd.s32 $0xFFFFFFFF  }
0xb5: {  	_ =	strace $0x90000048  }
0xb6: {  	_ =	sfence  }
0xb7: {  	s30 =	sld [smem:$0x0];
	_ =	sdelay $0x2  }
0xb8: {  	s31 =	sshll.u32 s1, $0xD;
	s1 =	sshrl.u32 s1, $0x2  }
0xb9: {  	s3 =	sand.u32 $0x4000, s31;
	s1 =	sadd.s32 s1, s30  }
0xba: {  	s0 =	sor.u32 s3, s0;
	s1 =	sshll.u32 s1, $0x11  }
0xbb: {  	s0 =	sor.u32 s1, s0  }
0xbc: {  	s0 =	sadd.s32 $0x8F2B, s0  }
0xbd: {  	[sflag:s0] =	ssyncadd.remote.s32 $0x1  }
0xbe: {  	_ =	sfence.sel $0xFFFF  }
0xbf: {  	[dreg:$0x0] =	wrdreg $0xFFFFFFFF;
	(pc) =	sbr.abs _section_cstart, $3  }
0xc0: {  	[dreg:$0x1] =	wrdreg $0xFFFFFFFF  }
0xc1: {  	_ =	task.clear_ibuf [dreg:s7], $0x2FFFF;
	_ =	strace $0x9FFFFFFF  }
0xc2: {  	(tm) =	ssettm $0x7FFFFFFF  }
0xc3: {  	_ =	shalt  }
tec
execute0_lowered:
.L_overlay_start_1:
0x0: {  	(tag) =	ssettag $0x1  }
0x1: {  	s0 =	rddreg [dreg:$0x0];
	s2 =	srdreg.scid  }
0x2: {  	s6 =	rddreg [dreg:$0x1];
	s4 =	sand.u32 $0x1, s2;
	s2 =	simm.s32 $0x0  }
0x3: {  	s8 =	sadd.s32 $0x6A800, s6;
	[smem:$0x7FF] =	sst s2  }
0x4: {  	s12 =	simm.s32 $0x880;
	_ =	strace $0x80000047;
	[dreg:$0x3] =	wrdreg s8  }
0x5: {  	s13 =	simm.s32 $0x1080;
	[dreg:$0x7] =	wrdreg s12  }
0x6: {  	s1 =	stileid.u32;
	s14 =	simm.s32 $0x1880;
	[dreg:$0x8] =	wrdreg s13  }
0x7: {  	s15 =	simm.s32 $0x2080;
	s16 =	simm.s32 $0x2880;
	[dreg:$0x9] =	wrdreg s14  }
0x8: {  	s17 =	simm.s32 $0x3080;
	s19 =	simm.s32 $0x3880;
	[dreg:$0xa] =	wrdreg s15  }
0x9: {  	s21 =	simm.s32 $0x4080;
	s22 =	simm.s32 $0x4880;
	[dreg:$0xb] =	wrdreg s16  }
0xa: {  	s23 =	simm.s32 $0x5080;
	s24 =	simm.s32 $0x5880;
	[dreg:$0xc] =	wrdreg s17  }
0xb: {  	s25 =	simm.s32 $0x6080;
	s26 =	simm.s32 $0x6880;
	[dreg:$0xd] =	wrdreg s19  }
0xc: {  	s9 =	simm.s32 $0x80;
	s10 =	simm.s32 $0x10080;
	[dreg:$0xe] =	wrdreg s21  }
0xd: {  	s28 =	simm.s32 $0xF080;
	s29 =	simm.s32 $0xF880;
	[dreg:$0xf] =	wrdreg s22  }
0xe: {  	s30 =	simm.s32 $0x40;
	s31 =	simm.s32 $0x1;
	[dreg:$0x10] =	wrdreg s23  }
0xf: {  	s3 =	sshll.u32 s1, $0x7;
	s5 =	sshll.u32 s4, $0x6;
	[dreg:$0x11] =	wrdreg s24  }
0x10: {  	s4 =	ssub.s32 $0x2, s4;
	s3 =	sor.u32 s5, s3;
	[dreg:$0x12] =	wrdreg s25  }
0x11: {  	s18 =	sshrl.u32 s4, $0x1;
	s8 =	simm.s32 $0x3;
	[dreg:$0x13] =	wrdreg s26  }
0x12: {  	s12 =	simm.s32 $0x7880;
	s13 =	simm.s32 $0x8080;
	s14 =	simm.s32 $0x8880  }
0x13: {  	s15 =	simm.s32 $0x9080;
	s16 =	simm.s32 $0x9880;
	s17 =	simm.s32 $0xA080  }
0x14: {  	s19 =	simm.s32 $0xB080;
	s21 =	simm.s32 $0xC080;
	s22 =	simm.s32 $0xC880  }
0x15: {  	s23 =	simm.s32 $0xD080;
	s24 =	simm.s32 $0xD880;
	s25 =	simm.s32 $0xE080  }
0x16: {  	s26 =	simm.s32 $0xE880;
	s5 =	sshrl.u32 s3, $0x3;
	s7 =	sshll.u32 s3, $0x4  }
0x17: {  	s3 =	sshll.u32 s3, $0x7;
	s20 =	ssub.s32 s4, s18;
	s4 =	sadd.s32 $0xA900, s6  }
0x18: {  	s18 =	simm.s32 $0xA880;
	s5 =	sadd.s32 s5, s6;
	s7 =	sadd.s32 s7, s6  }
0x19: {  	s0 =	sadd.s32 s0, s3;
	s3 =	sadd.s32 $0xA800, s6;
	s5 =	sadd.s32 $0xA200, s5  }
0x1a: {  	v2 =	vlaneseq.u32;
	[dreg:$0x5] =	wrdreg s0;
	s11 =	sadd.s32 $0x2200, s7;
	s7 =	smax.u32 s20, $0x1  }
0x1b: {  	vm0 =	vmmov $0xffff;
	v1 =	vshrl.u32 v2, $0x3;
	s20 =	simm.s32 $0xB880;
	s0 =	simm.s32 $0x2;
	[dreg:$0x4] =	wrdreg s5  }
0x1c: {  	v0 =	vand.u32 $0x7, v2;
	v2 =	vor.u32 $0x8, v2;
	v1 =	vmul.u32 $0x8, v1;
	[dreg:$0x6] =	wrdreg s11;
	s5 =	sadd.s32 $0xAA00, s6;
	s6 =	sadd.s32 $0xAB00, s6  }
.LBB2_1:
0x1d: {  	s1 =	rddreg [dreg:$0x4]  }
0x1e: {  	[tilespmem:s2], [sflag:$0x3] =	stream.linear.gather [hbm4b:s1+s2], $0x40, $0x38;
	[tilespmem:$0x12080] =	vst v63  }
0x1f: {  	_ =	swait.ge [sflag:s8], $0x40  }
0x20: {  	[sflag:s8] =	ssyncset.done $0x0  }
0x21: {  	s11 =	rddreg [dreg:$0x5];
	[sflag:s8] =	ssyncadd.s32 $0xFFFFFFC0  }
0x22: {  	[tilespmem:s9], [sflag:$0x3] =	stream.linear.gather [hbm4b:s11+s2], $0x10000, $0x38;
	[tilespmem:$0x12080] =	vst v63  }
0x23: {  	_ =	swait.ge [sflag:s8], $0x10000  }
0x24: {  	[sflag:s8] =	ssyncset.done $0x0  }
0x25: {  	s11 =	rddreg [dreg:$0x6];
	[sflag:s8] =	ssyncadd.s32 $0xFFFF0000  }
0x26: {  	[tilespmem:s10], [sflag:$0x3] =	stream.linear.gather [hbm4b:s11+s2], $0x2000, $0x38;
	[tilespmem:$0x12080] =	vst v63  }
0x27: {  	_ =	swait.ge [sflag:s8], $0x2000  }
0x28: {  	[sflag:s8] =	ssyncset.done $0x0  }
0x29: {  	[sflag:s8] =	ssyncadd.s32 $0xFFFFE000  }
0x2a: {  	v3 =	vld [tilespmem:$0x0];
	_ =	sdelay $0x4  }
0x2b: {  	v4 =	vshll.u32 v3, $0x3  }
0x2c: {  	v3 =	vand.u32 $0x7, v3;
	v4 =	vand.u32 $0xFFFFFFC0, v4  }
0x2d: {  	v3 =	vor.u32 v3, v4  }
0x2e: {  	v4 =	vperm.xlane v3, v0;
	_ =	sdelay $0x1  }
0x2f: {  	v4 =	vadd.s32 v1, v4;
	_ =	sdelay $0x4  }
0x30: {  	[hbm4b:s3+s2] =	stream.indirect_vreg.scatter [tilespmem:s9], [sflag:$0x1], $0x80, v4, vm0, $0xb8;
	[tilespmem:$0x12080] =	vst v63  }
0x31: {  	s1 =	rddreg [dreg:$0x7];
	v3 =	vperm.xlane v3, v2  }
0x32: {  	[hbm4b:s4+s2] =	stream.indirect_vreg.scatter [tilespmem:s1], [sflag:$0x1], $0x80, v4, vm0, $0xb8;
	[tilespmem:$0x12080] =	vst v63  }
0x33: {  	s11 =	rddreg [dreg:$0x8];
	v3 =	vadd.s32 v1, v3  }
0x34: {  	[hbm4b:s5+s2] =	stream.indirect_vreg.scatter [tilespmem:s11], [sflag:$0x1], $0x80, v4, vm0, $0xb8;
	[tilespmem:$0x12080] =	vst v63  }
0x35: {  	s1 =	rddreg [dreg:$0x9]  }
0x36: {  	[hbm4b:s6+s2] =	stream.indirect_vreg.scatter [tilespmem:s1], [sflag:$0x1], $0x80, v4, vm0, $0xb8;
	[tilespmem:$0x12080] =	vst v63  }
0x37: {  	s11 =	rddreg [dreg:$0xa]  }
0x38: {  	[hbm4b:s3+s2] =	stream.indirect_vreg.scatter [tilespmem:s11], [sflag:$0x1], $0x80, v3, vm0, $0xb8;
	[tilespmem:$0x12080] =	vst v63  }
0x39: {  	s1 =	rddreg [dreg:$0xb]  }
0x3a: {  	[hbm4b:s4+s2] =	stream.indirect_vreg.scatter [tilespmem:s1], [sflag:$0x1], $0x80, v3, vm0, $0xb8;
	[tilespmem:$0x12080] =	vst v63  }
0x3b: {  	s11 =	rddreg [dreg:$0xc]  }
0x3c: {  	[hbm4b:s5+s2] =	stream.indirect_vreg.scatter [tilespmem:s11], [sflag:$0x1], $0x80, v3, vm0, $0xb8;
	[tilespmem:$0x12080] =	vst v63  }
0x3d: {  	s1 =	rddreg [dreg:$0xd]  }
0x3e: {  	[hbm4b:s6+s2] =	stream.indirect_vreg.scatter [tilespmem:s1], [sflag:$0x1], $0x80, v3, vm0, $0xb8;
	[tilespmem:$0x12080] =	vst v63  }
0x3f: {  	v3 =	vld [tilespmem:$0x10];
	_ =	sdelay $0x4  }
0x40: {  	v61 =	vshll.u32 v3, $0x3  }
0x41: {  	v3 =	vand.u32 $0x7, v3;
	v4 =	vand.u32 $0xFFFFFFC0, v61  }
0x42: {  	v3 =	vor.u32 v3, v4  }
0x43: {  	v4 =	vperm.xlane v3, v0;
	_ =	sdelay $0x1  }
0x44: {  	v4 =	vadd.s32 v1, v4;
	_ =	sdelay $0x3  }
0x45: {  	s1 =	rddreg [dreg:$0xe]  }
0x46: {  	[hbm4b:s3+s2] =	stream.indirect_vreg.scatter [tilespmem:s1], [sflag:$0x1], $0x80, v4, vm0, $0xb8;
	[tilespmem:$0x12080] =	vst v63  }
0x47: {  	s11 =	rddreg [dreg:$0xf];
	v3 =	vperm.xlane v3, v2  }
0x48: {  	[hbm4b:s4+s2] =	stream.indirect_vreg.scatter [tilespmem:s11], [sflag:$0x1], $0x80, v4, vm0, $0xb8;
	[tilespmem:$0x12080] =	vst v63  }
0x49: {  	v3 =	vadd.s32 v1, v3;
	s1 =	rddreg [dreg:$0x10]  }
0x4a: {  	[hbm4b:s5+s2] =	stream.indirect_vreg.scatter [tilespmem:s1], [sflag:$0x1], $0x80, v4, vm0, $0xb8;
	[tilespmem:$0x12080] =	vst v63  }
0x4b: {  	s11 =	rddreg [dreg:$0x11]  }
0x4c: {  	[hbm4b:s6+s2] =	stream.indirect_vreg.scatter [tilespmem:s11], [sflag:$0x1], $0x80, v4, vm0, $0xb8;
	[tilespmem:$0x12080] =	vst v63  }
0x4d: {  	s1 =	rddreg [dreg:$0x12]  }
0x4e: {  	[hbm4b:s3+s2] =	stream.indirect_vreg.scatter [tilespmem:s1], [sflag:$0x1], $0x80, v3, vm0, $0xb8;
	[tilespmem:$0x12080] =	vst v63  }
0x4f: {  	s11 =	rddreg [dreg:$0x13]  }
0x50: {  	[hbm4b:s4+s2] =	stream.indirect_vreg.scatter [tilespmem:s11], [sflag:$0x1], $0x80, v3, vm0, $0xb8;
	[tilespmem:$0x12080] =	vst v63  }
0x51: {  	s11 =	simm.s32 $0x7080  }
0x52: {  	[hbm4b:s5+s2] =	stream.indirect_vreg.scatter [tilespmem:s11], [sflag:$0x1], $0x80, v3, vm0, $0xb8;
	[tilespmem:$0x12080] =	vst v63  }
0x53: {  	_ = 	snop  }
0x54: {  	[hbm4b:s6+s2] =	stream.indirect_vreg.scatter [tilespmem:s12], [sflag:$0x1], $0x80, v3, vm0, $0xb8;
	[tilespmem:$0x12080] =	vst v63  }
0x55: {  	v3 =	vld [tilespmem:$0x20];
	_ =	sdelay $0x4  }
0x56: {  	v62 =	vshll.u32 v3, $0x3  }
0x57: {  	v3 =	vand.u32 $0x7, v3;
	v4 =	vand.u32 $0xFFFFFFC0, v62  }
0x58: {  	v3 =	vor.u32 v3, v4  }
0x59: {  	v4 =	vperm.xlane v3, v0;
	_ =	sdelay $0x1  }
0x5a: {  	v4 =	vadd.s32 v1, v4;
	_ =	sdelay $0x4  }
0x5b: {  	[hbm4b:s3+s2] =	stream.indirect_vreg.scatter [tilespmem:s13], [sflag:$0x1], $0x80, v4, vm0, $0xb8;
	[tilespmem:$0x12080] =	vst v63  }
0x5c: {  	v3 =	vperm.xlane v3, v2  }
0x5d: {  	[hbm4b:s4+s2] =	stream.indirect_vreg.scatter [tilespmem:s14], [sflag:$0x1], $0x80, v4, vm0, $0xb8;
	[tilespmem:$0x12080] =	vst v63  }
0x5e: {  	v3 =	vadd.s32 v1, v3  }
0x5f: {  	[hbm4b:s5+s2] =	stream.indirect_vreg.scatter [tilespmem:s15], [sflag:$0x1], $0x80, v4, vm0, $0xb8;
	[tilespmem:$0x12080] =	vst v63  }
0x60: {  	_ = 	snop  }
0x61: {  	[hbm4b:s6+s2] =	stream.indirect_vreg.scatter [tilespmem:s16], [sflag:$0x1], $0x80, v4, vm0, $0xb8;
	[tilespmem:$0x12080] =	vst v63  }
0x62: {  	_ = 	snop  }
0x63: {  	[hbm4b:s3+s2] =	stream.indirect_vreg.scatter [tilespmem:s17], [sflag:$0x1], $0x80, v3, vm0, $0xb8;
	[tilespmem:$0x12080] =	vst v63  }
0x64: {  	_ = 	snop  }
0x65: {  	[hbm4b:s4+s2] =	stream.indirect_vreg.scatter [tilespmem:s18], [sflag:$0x1], $0x80, v3, vm0, $0xb8;
	[tilespmem:$0x12080] =	vst v63  }
0x66: {  	_ = 	snop  }
0x67: {  	[hbm4b:s5+s2] =	stream.indirect_vreg.scatter [tilespmem:s19], [sflag:$0x1], $0x80, v3, vm0, $0xb8;
	[tilespmem:$0x12080] =	vst v63  }
0x68: {  	_ = 	snop  }
0x69: {  	[hbm4b:s6+s2] =	stream.indirect_vreg.scatter [tilespmem:s20], [sflag:$0x1], $0x80, v3, vm0, $0xb8;
	[tilespmem:$0x12080] =	vst v63  }
0x6a: {  	v3 =	vld [tilespmem:$0x30];
	_ =	sdelay $0x4  }
0x6b: {  	v63 =	vshll.u32 v3, $0x3  }
0x6c: {  	v3 =	vand.u32 $0x7, v3;
	v4 =	vand.u32 $0xFFFFFFC0, v63  }
0x6d: {  	v3 =	vor.u32 v3, v4  }
0x6e: {  	v4 =	vperm.xlane v3, v0;
	_ =	sdelay $0x1  }
0x6f: {  	v4 =	vadd.s32 v1, v4;
	_ =	sdelay $0x4  }
0x70: {  	[hbm4b:s3+s2] =	stream.indirect_vreg.scatter [tilespmem:s21], [sflag:$0x1], $0x80, v4, vm0, $0xb8;
	[tilespmem:$0x12080] =	vst v63  }
0x71: {  	v3 =	vperm.xlane v3, v2  }
0x72: {  	[hbm4b:s4+s2] =	stream.indirect_vreg.scatter [tilespmem:s22], [sflag:$0x1], $0x80, v4, vm0, $0xb8;
	[tilespmem:$0x12080] =	vst v63  }
0x73: {  	v3 =	vadd.s32 v1, v3  }
0x74: {  	[hbm4b:s5+s2] =	stream.indirect_vreg.scatter [tilespmem:s23], [sflag:$0x1], $0x80, v4, vm0, $0xb8;
	[tilespmem:$0x12080] =	vst v63  }
0x75: {  	_ = 	snop  }
0x76: {  	[hbm4b:s6+s2] =	stream.indirect_vreg.scatter [tilespmem:s24], [sflag:$0x1], $0x80, v4, vm0, $0xb8;
	[tilespmem:$0x12080] =	vst v63  }
0x77: {  	_ = 	snop  }
0x78: {  	[hbm4b:s3+s2] =	stream.indirect_vreg.scatter [tilespmem:s25], [sflag:$0x1], $0x80, v3, vm0, $0xb8;
	[tilespmem:$0x12080] =	vst v63  }
0x79: {  	_ = 	snop  }
0x7a: {  	[hbm4b:s4+s2] =	stream.indirect_vreg.scatter [tilespmem:s26], [sflag:$0x1], $0x80, v3, vm0, $0xb8;
	[tilespmem:$0x12080] =	vst v63  }
0x7b: {  	_ = 	snop  }
0x7c: {  	[hbm4b:s5+s2] =	stream.indirect_vreg.scatter [tilespmem:s28], [sflag:$0x1], $0x80, v3, vm0, $0xb8;
	[tilespmem:$0x12080] =	vst v63  }
0x7d: {  	_ = 	snop  }
0x7e: {  	[hbm4b:s6+s2] =	stream.indirect_vreg.scatter [tilespmem:s29], [sflag:$0x1], $0x80, v3, vm0, $0xb8;
	[tilespmem:$0x12080] =	vst v63  }
0x7f: {  	s11 =	rddreg [dreg:$0x3]  }
0x80: {  	[hbm4b:s11+s30] =	stream.indirect.scatter [tilespmem:s10], [sflag:$0x2], $0x80, s2, s30, $0xb8;
	[tilespmem:$0x12080] =	vst v63  }
0x81: {  	p0 =	sne.s32 s7, $0x1;
	_ =	swait.ge [sflag:s31], $0x10000  }
.Ltmp0:
0x82: {  	[sflag:s31] =	ssyncset.done $0x0;
	(pc) =	sbr.rel @p0 .LBB2_1-.Ltmp0, $4  }
0x83: {  	[sflag:s31] =	ssyncadd.s32 $0xFFFF0000  }
0x84: {  	_ =	swait.ge [sflag:s0], $0x2000  }
0x85: {  	[sflag:s0] =	ssyncset.done $0x0  }
0x86: {  	s7 =	sadd.s32 $0xFFFFFFFF, s7;
	[sflag:s0] =	ssyncadd.s32 $0xFFFFE000  }
0x87: {  	_ =	sfence.sel $0x180000  }
0x88: {  	[bflag:$0x0] =	sbarrier.arrive $0xFFFF  }
0x89: {  	_ =	strace $0x90000047  }
0x8a: {  	s0 =	stileid.u32;
	[bflag:$0x2] =	sbarrier.arrive $0xFFFF  }
0x8b: {  	p0 =	sne.s32 s0, $0x0;
	s0 =	rddreg [dreg:$0x2]  }
0x8c: {  	s0 =	sadd.s32 @!p0 $0x100000, s0  }
0x8d: {  	[sflag:s0] =	ssyncadd.tile.s32 @!p0 $0x1;
	_ =	shalt  }
.Lfunc_end2:
_tile_overlayer_lowered:
.L_overlay_start_2:
0x8e: {  	(tag) =	ssettag $0x2  }
0x8f: {  	s0 =	rddreg [dreg:$0x0];
	s2 =	stileid.u32  }
0x90: {  	s1 =	rddreg [dreg:$0x1];
	p0 =	sne.s32 s2, $0x0  }
0x91: {  	s3 =	rddreg [dreg:$0x2];
	[bflag:$0x3] =	sbarrier.arrive $0xFFFF;
	s2 =	simm.s32 @!p0 $0x1C03  }
0x92: {  	[timem:s3], [sflag:s2] =	dma.local @!p0 [hbm:s0], s1  }
0x93: {  	s0 =	simm.s32 @!p0 $0x3  }
0x94: {  	_ =	swait.ge @!p0 [sflag:s0], s1  }
0x95: {  	s1 =	ssub.s32 @!p0 $0x0, s1;
	[sflag:s0] =	ssyncset.done @!p0 $0x0  }
0x96: {  	[sflag:s0] =	ssyncadd.s32 @!p0 s1  }
0x97: {  	[bflag:$0x3] =	sbarrier.arrive $0xFFFF  }
0x98: {  	_ =	shalt  }

// kernel: kernel.9.cloned.1.call-start
scs
__scs_entry_jumppad:
0x0: {  	(pc) =	sbr.rel $0x88, $3  }
0x1: {  	(tag) =	ssettag $0x0;
	lr =	simm.s32 $0x1  }
0x2: {  	[smem:$0x3F99] =	sst lr;
	_ =	strace $0xD0000000  }
0x3: {  	_ = 	snop  }
0x4: {  	_ = 	snop  }
0x5: {  	_ = 	snop  }
0x6: {  	_ = 	snop  }
0x7: {  	_ = 	snop  }
__scs_overlays_trampoline_lowered:
0x8: {  	[smem:$0x3FA8] =	sst s0  }
0x9: {  	[smem:$0x3FA9] =	sst s1  }
0xa: {  	[smem:$0x3FAA] =	sst s2  }
0xb: {  	[smem:$0x3FAB] =	sst s3  }
0xc: {  	[smem:$0x3FAC] =	sst s4  }
0xd: {  	[smem:$0x3FAD] =	sst s5  }
0xe: {  	[smem:$0x3FAE] =	sst s6  }
0xf: {  	[smem:$0x3FAF] =	sst s7  }
0x10: {  	[smem:$0x3FB0] =	sst s8  }
0x11: {  	[smem:$0x3FB1] =	sst s9;
	s0 =	simm.s32 @!p0 $0x0  }
0x12: {  	s1 =	sld [smem:$0x3F97];
	s0 =	simm.s32 @p0 $0x1  }
0x13: {  	[smem:$0x3FB2] =	sst s0;
	s0 =	simm.s32 @!p1 $0x0  }
0x14: {  	s2 =	sld [smem:$0x3F96];
	s0 =	simm.s32 @p1 $0x1  }
0x15: {  	[smem:$0x3FB3] =	sst s0;
	s0 =	simm.s32 @!p2 $0x0  }
0x16: {  	s3 =	sld [smem:$0x3FDB];
	s0 =	simm.s32 @p2 $0x1  }
0x17: {  	s4 =	simm.s32 $0x1BF5;
	[smem:$0x3FB5] =	sst s0  }
0x18: {  	s0 =	sld [smem:$0x3F98];
	_ =	swait.ge [sflag:s4], $0x0  }
0x19: {  	s7 =	sld [smem:$0x3F99]  }
0x1a: {  	s8 =	sadd.s32 $0xFFFFE003, lr  }
0x1b: {  	s9 =	sadd.s32 $0xFFFFFEF7, lr;
	s5 =	simm.s32 $0xFFFFFFFF;
	p2 =	slt.u32 s8, $0xFFFFF086  }
0x1c: {  	p1 =	slt.u32 s9, $0xF7A;
	s5 =	simm.s32 @!p2 $0x0  }
0x1d: {  	s5 =	simm.s32 @p1 $0x1;
	p0 =	seq.s32 s7, s2  }
0x1e: {  	s7 =	smul.u32 @!p0 $0xF7A, s2;
	p2 =	seq.s32 @!p0 s5, $0x0  }
0x1f: {  	s9 =	smul.u32 $0xF7A, s1;
	s8 =	simm.s32 @!p0 $0x1BF5;
	p2 =	por !p2, p0  }
0x20: {  	[sflag:s8] =	ssyncset.s32 @!p0 $0xFFFFF086;
	s6 =	sadd.s32 @!p0 s3, s7;
	s7 =	simm.s32 @!p0 $0x108  }
0x21: {  	s3 =	sadd.s32 s3, s9;
	s6 =	sadd.s32 @!p0 $0x88, s6;
	s7 =	simm.s32 @p2 $0x1082  }
0x22: {  	[simem:s7], [sflag:s8] =	dma.local @!p0 [hbm:s6], $0xF7A  }
0x23: {  	s9 =	sor.u32 $0xD0000000, s2;
	s6 =	simm.s32 $0x108;
	_ =	swait.ge @!p0 [sflag:s8], $0x0  }
0x24: {  	s3 =	sadd.s32 $0x88, s3;
	s6 =	simm.s32 @!p1 $0x1082;
	[sflag:s4] =	ssyncset.s32 $0xFFFFF086  }
0x25: {  	[simem:s6], [sflag:s4] =	dma.local [hbm:s3], $0xF7A  }
0x26: {  	[smem:$0x3F99] =	sst s1;
	(tag) =	ssettag s2;
	_ =	strace s9  }
0x27: {  	s1 =	sld [smem:$0x3FA9]  }
0x28: {  	s2 =	sld [smem:$0x3FAA]  }
0x29: {  	s4 =	sld [smem:$0x3FAC]  }
0x2a: {  	p0 =	seq.s32 s5, $0x0;
	s5 =	sld [smem:$0x3FAD]  }
0x2b: {  	s6 =	sld [smem:$0x3FAE]  }
0x2c: {  	s7 =	sld [smem:$0x3FAF]  }
0x2d: {  	s3 =	simm.s32 $0x108;
	s8 =	sld [smem:$0x3FB0]  }
0x2e: {  	s3 =	simm.s32 @!p0 $0x1082;
	s9 =	sld [smem:$0x3FB1]  }
0x2f: {  	lr =	sadd.s32 s0, s3;
	s0 =	sld [smem:$0x3FA8]  }
0x30: {  	s3 =	sld [smem:$0x3FAB]  }
0x31: {  	[smem:$0x3FB4] =	sst s10  }
0x32: {  	s10 =	sld [smem:$0x3FB2];
	_ =	sdelay $0x3  }
0x33: {  	p0 =	seq.s32 s10, $0x1;
	s10 =	sld [smem:$0x3FB4];
	_ =	sdelay $0x3  }
0x34: {  	[smem:$0x3FB4] =	sst s10  }
0x35: {  	s10 =	sld [smem:$0x3FB3];
	_ =	sdelay $0x3  }
0x36: {  	p1 =	seq.s32 s10, $0x1;
	s10 =	sld [smem:$0x3FB4];
	_ =	sdelay $0x3  }
0x37: {  	[smem:$0x3FB4] =	sst s10  }
0x38: {  	s10 =	sld [smem:$0x3FB5]  }
0x39: {  	_ = 	snop;
	(pc) =	sbr.ind lr, $3  }
0x3a: {  	_ = 	snop  }
0x3b: {  	_ = 	snop  }
0x3c: {  	p2 =	seq.s32 s10, $0x1;
	s10 =	sld [smem:$0x3FB4]  }
0x3d: {  	_ =	shalt  }
0x3e: {  	_ =	shalt  }
0x3f: {  	_ =	shalt  }
0x40: {  	_ =	shalt  }
0x41: {  	_ =	shalt  }
0x42: {  	_ =	shalt  }
0x43: {  	_ =	shalt  }
0x44: {  	_ =	shalt  }
0x45: {  	_ =	shalt  }
0x46: {  	_ =	shalt  }
0x47: {  	_ =	shalt  }
0x48: {  	_ =	shalt  }
0x49: {  	_ =	shalt  }
0x4a: {  	_ =	shalt  }
0x4b: {  	_ =	shalt  }
0x4c: {  	_ =	shalt  }
0x4d: {  	_ =	shalt  }
0x4e: {  	_ =	shalt  }
0x4f: {  	_ =	shalt  }
0x50: {  	_ =	shalt  }
0x51: {  	_ =	shalt  }
0x52: {  	_ =	shalt  }
0x53: {  	_ =	shalt  }
0x54: {  	_ =	shalt  }
0x55: {  	_ =	shalt  }
0x56: {  	_ =	shalt  }
0x57: {  	_ =	shalt  }
0x58: {  	_ =	shalt  }
0x59: {  	_ =	shalt  }
0x5a: {  	_ =	shalt  }
0x5b: {  	_ =	shalt  }
0x5c: {  	_ =	shalt  }
0x5d: {  	_ =	shalt  }
0x5e: {  	_ =	shalt  }
0x5f: {  	_ =	shalt  }
0x60: {  	_ =	shalt  }
0x61: {  	_ =	shalt  }
0x62: {  	_ =	shalt  }
0x63: {  	_ =	shalt  }
0x64: {  	_ =	shalt  }
0x65: {  	_ =	shalt  }
0x66: {  	_ =	shalt  }
0x67: {  	_ =	shalt  }
0x68: {  	_ =	shalt  }
0x69: {  	_ =	shalt  }
0x6a: {  	_ =	shalt  }
0x6b: {  	_ =	shalt  }
0x6c: {  	_ =	shalt  }
0x6d: {  	_ =	shalt  }
0x6e: {  	_ =	shalt  }
0x6f: {  	_ =	shalt  }
0x70: {  	_ =	shalt  }
0x71: {  	_ =	shalt  }
0x72: {  	_ =	shalt  }
0x73: {  	_ =	shalt  }
0x74: {  	_ =	shalt  }
0x75: {  	_ =	shalt  }
0x76: {  	_ =	shalt  }
0x77: {  	_ =	shalt  }
0x78: {  	_ =	shalt  }
0x79: {  	_ =	shalt  }
0x7a: {  	_ =	shalt  }
0x7b: {  	_ =	shalt  }
0x7c: {  	_ =	shalt  }
0x7d: {  	_ =	shalt  }
0x7e: {  	_ =	shalt  }
0x7f: {  	_ =	shalt  }
0x80: {  	_ =	shalt  }
0x81: {  	_ =	shalt  }
0x82: {  	_ =	shalt  }
0x83: {  	_ =	shalt  }
0x84: {  	_ =	shalt  }
0x85: {  	_ =	shalt  }
0x86: {  	_ =	shalt  }
0x87: {  	_ =	shalt  }
.Lfunc_end0:
.L_simem_size_0:
called_computation.1_lowered:
.L_overlay_start_0:
0x88: {  	s2 =	sld [smem:$0x3FD9]  }
0x89: {  	s3 =	sld [smem:$0x3FFE];
	_ =	sdelay $0x1  }
0x8a: {  	s1 =	srdreg.scid  }
0x8b: {  	s0 =	sand.u32 $0x1, s1  }
0x8c: {  	s16 =	sshll.u32 s0, $0xA;
	s2 =	sadd.s32 s3, s2  }
0x8d: {  	s2 =	sadd.s32 s2, s16  }
0x8e: {  	[smem:$0x3FC0] =	sst s2  }
0x8f: {  	_ = 	snop  }
0x90: {  	(tm) =	ssettm $0x1  }
0x91: {  	s17 =	sld [smem:$0x3FFB];
	_ =	sdelay $0x3  }
0x92: {  	_ =	strace s17  }
0x93: {  	s2 =	sld [smem:$0x3FFC];
	_ =	sdelay $0x3  }
0x94: {  	_ =	strace s2  }
0x95: {  	s2 =	sld [smem:$0x3FFD];
	_ =	sdelay $0x3  }
0x96: {  	_ =	strace s2  }
0x97: {  	_ =	strace $0x8FFFFFFF  }
0x98: {  	s18 =	sld [smem:$0x3FDB];
	_ =	sdelay $0x1  }
0x99: {  	s19 =	simm.s32 $_scs_section_size  }
0x9a: {  	s4 =	simm.s32 $_size__tile_overlayer_lowered;
	s5 =	simm.s32 $_tile_overlayer_lowered  }
0x9b: {  	s22 =	simm.s32 $0x1BFF;
	s21 =	sshll.u32 s5, $0x1;
	s2 =	sadd.s32 s19, s18  }
0x9c: {  	s6 =	simm.s32 $0x0;
	s20 =	sshll.u32 s4, $0x1;
	s4 =	sadd.s32 s21, s2  }
0x9d: {  	[timem:s6], [sflag:s22] =	dma.local [hbm:s4], s20  }
0x9e: {  	_ =	swait.ge [sflag:s22], s20  }
0x9f: {  	s3 =	ssub.s32 $0x0, s20;
	[sflag:s22] =	ssyncset.done $0x0  }
0xa0: {  	[sflag:s22] =	ssyncadd.s32 s3;
	_ =	sdelay $0x1  }
0xa1: {  	s23 =	simm.s32 $0x1B8B  }
0xa2: {  	_ =	swait.ge [sflag:s23], $0x1  }
0xa3: {  	[sflag:s23] =	ssyncset.done $0x0  }
0xa4: {  	s25 =	simm.s32 $0x1B8E;
	s24 =	sld [smem:$0x3FFE];
	[sflag:s23] =	ssyncadd.s32 $0xFFFFFFFF  }
0xa5: {  	s26 =	simm.s32 $execute0_lowered;
	[smem:$0x3FD2] =	sst s25  }
0xa6: {  	s4 =	sshll.u32 s26, $0x1;
	_ =	strace $0x80000049;
	[dreg:$0x1] =	wrdreg $0xFFFFFFFF  }
0xa7: {  	s28 =	simm.s32 $_size_execute0_lowered;
	s2 =	sadd.s32 s2, s4;
	[dreg:$0x0] =	wrdreg $0x0  }
0xa8: {  	s4 =	sshll.u32 s28, $0x1;
	[dreg:$0x2] =	wrdreg s2  }
0xa9: {  	[dreg:$0x3] =	wrdreg s4  }
0xaa: {  	[dreg:$0x4] =	wrdreg $0xC0  }
0xab: {  	_ =	task [dreg:s6], $0x5FFFF  }
0xac: {  	[dreg:$0x1] =	wrdreg $0xFFFFFFFF  }
0xad: {  	[dreg:$0x0] =	wrdreg $0x60  }
0xae: {  	[dreg:$0x2] =	wrdreg s24  }
0xaf: {  	[dreg:$0x3] =	wrdreg $0x9  }
0xb0: {  	_ =	task.clear_ibuf [dreg:s6], $0x4FFFF;
	_ =	strace $0x90000049  }
0xb1: {  	s29 =	simm.s32 $0x9;
	_ =	strace $0x8000004B  }
0xb2: {  	_ =	swait.ge [sflag:s29], $0x1  }
0xb3: {  	[sflag:s29] =	ssyncadd.s32 $0xFFFFFFFF  }
0xb4: {  	_ =	strace $0x9000004B  }
0xb5: {  	_ =	sfence  }
0xb6: {  	s30 =	sld [smem:$0x0];
	_ =	sdelay $0x2  }
0xb7: {  	s31 =	sshll.u32 s1, $0xD;
	s1 =	sshrl.u32 s1, $0x2  }
0xb8: {  	s3 =	sand.u32 $0x4000, s31;
	s1 =	sadd.s32 s1, s30  }
0xb9: {  	s0 =	sor.u32 s3, s0;
	s1 =	sshll.u32 s1, $0x11  }
0xba: {  	s0 =	sor.u32 s1, s0  }
0xbb: {  	s0 =	sadd.s32 $0x8F2B, s0  }
0xbc: {  	[sflag:s0] =	ssyncadd.remote.s32 $0x1  }
0xbd: {  	_ =	sfence.sel $0xFFFF  }
0xbe: {  	[dreg:$0x0] =	wrdreg $0xFFFFFFFF;
	(pc) =	sbr.abs _section_cstart, $3  }
0xbf: {  	[dreg:$0x1] =	wrdreg $0xFFFFFFFF  }
0xc0: {  	_ =	task.clear_ibuf [dreg:s6], $0x2FFFF;
	_ =	strace $0x9FFFFFFF  }
0xc1: {  	(tm) =	ssettm $0x7FFFFFFF  }
tec
execute0_lowered:
.L_overlay_start_1:
0x0: {  	(tag) =	ssettag $0x1  }
0x1: {  	s1 =	srdreg.scid  }
0x2: {  	s0 =	stileid.u32;
	s6 =	rddreg [dreg:$0x0]  }
0x3: {  	s19 =	simm.s32 $0x880;
	s20 =	simm.s32 $0x1080;
	s21 =	simm.s32 $0x1880  }
0x4: {  	s22 =	simm.s32 $0x2080;
	s23 =	simm.s32 $0x2880;
	s7 =	simm.s32 $0x3080  }
0x5: {  	s24 =	simm.s32 $0x3880;
	s8 =	simm.s32 $0x4080;
	s25 =	simm.s32 $0x4880  }
0x6: {  	s26 =	simm.s32 $0x5080;
	s9 =	simm.s32 $0x80;
	s1 =	sand.u32 $0x1, s1  }
0x7: {  	s11 =	simm.s32 $0x6080;
	s2 =	sshll.u32 s0, $0x7;
	s3 =	sshll.u32 s1, $0x6  }
0x8: {  	s12 =	simm.s32 $0x6880;
	s3 =	sor.u32 s3, s2;
	s2 =	simm.s32 $0x0  }
0x9: {  	s13 =	simm.s32 $0x7080;
	s14 =	simm.s32 $0x7880;
	[smem:$0x7FF] =	sst s2  }
0xa: {  	s15 =	simm.s32 $0x8080;
	_ =	strace $0x8000004A;
	[dreg:$0x4] =	wrdreg s19  }
0xb: {  	s16 =	simm.s32 $0x8880;
	s17 =	simm.s32 $0x9080;
	[dreg:$0x5] =	wrdreg s20  }
0xc: {  	s18 =	simm.s32 $0x9880;
	s28 =	simm.s32 $0xE080;
	[dreg:$0x6] =	wrdreg s21  }
0xd: {  	s29 =	simm.s32 $0xE880;
	s30 =	simm.s32 $0xF080;
	[dreg:$0x7] =	wrdreg s22  }
0xe: {  	s31 =	simm.s32 $0xF880;
	s1 =	ssub.s32 $0x2, s1;
	[dreg:$0x8] =	wrdreg s23  }
0xf: {  	s5 =	sshrl.u32 s1, $0x1;
	s4 =	sshrl.u32 s3, $0x3;
	[dreg:$0x9] =	wrdreg s7  }
0x10: {  	s3 =	sshll.u32 s3, $0x7;
	s1 =	ssub.s32 s1, s5;
	[dreg:$0xa] =	wrdreg s24  }
0x11: {  	s5 =	sadd.s32 $0x78600, s6;
	s4 =	sadd.s32 s4, s6;
	[dreg:$0xb] =	wrdreg s8  }
0x12: {  	s3 =	sadd.s32 s3, s6;
	s7 =	smax.u32 s1, $0x1;
	[dreg:$0xc] =	wrdreg s25  }
0x13: {  	s8 =	simm.s32 $0x2;
	[dreg:$0xd] =	wrdreg s26;
	s19 =	simm.s32 $0xA080  }
0x14: {  	s20 =	simm.s32 $0xA880;
	s21 =	simm.s32 $0xB080;
	s22 =	simm.s32 $0xB880  }
0x15: {  	s23 =	simm.s32 $0xC080;
	s24 =	simm.s32 $0xC880;
	s4 =	sadd.s32 $0xA200, s4  }
0x16: {  	v2 =	vlaneseq.u32;
	s25 =	simm.s32 $0xD080;
	s3 =	sadd.s32 $0xA400, s3;
	[dreg:$0x2] =	wrdreg s4  }
0x17: {  	vm0 =	vmmov $0xffff;
	v1 =	vshrl.u32 v2, $0x3;
	s26 =	simm.s32 $0xD880;
	s1 =	simm.s32 $0x1;
	[dreg:$0x3] =	wrdreg s3  }
0x18: {  	v0 =	vand.u32 $0x7, v2;
	v2 =	vor.u32 $0x8, v2;
	v1 =	vmul.u32 $0x8, v1;
	s3 =	sadd.s32 $0x78400, s6;
	s4 =	sadd.s32 $0x78500, s6;
	s6 =	sadd.s32 $0x78700, s6  }
.LBB2_1:
0x19: {  	s0 =	rddreg [dreg:$0x2]  }
0x1a: {  	[tilespmem:s2], [sflag:$0x2] =	stream.linear.gather [hbm4b:s0+s2], $0x40, $0x38;
	[tilespmem:$0x10080] =	vst v63  }
0x1b: {  	_ =	swait.ge [sflag:s8], $0x40  }
0x1c: {  	[sflag:s8] =	ssyncset.done $0x0  }
0x1d: {  	[sflag:s8] =	ssyncadd.s32 $0xFFFFFFC0  }
0x1e: {  	v3 =	vld [tilespmem:$0x0];
	_ =	sdelay $0x4  }
0x1f: {  	v4 =	vshll.u32 v3, $0x3  }
0x20: {  	v3 =	vand.u32 $0x7, v3;
	v4 =	vand.u32 $0xFFFFFFC0, v4  }
0x21: {  	v3 =	vor.u32 v3, v4  }
0x22: {  	v4 =	vperm.xlane v3, v0;
	_ =	sdelay $0x1  }
0x23: {  	v4 =	vadd.s32 v1, v4;
	_ =	sdelay $0x4  }
0x24: {  	[tilespmem:s9], [sflag:$0x1] =	stream.indirect_vreg.gather [hbm4b:s3+s2], $0x80, v4, vm0, $0xb8;
	[tilespmem:$0x10080] =	vst v63  }
0x25: {  	s0 =	rddreg [dreg:$0x4];
	v3 =	vperm.xlane v3, v2  }
0x26: {  	[tilespmem:s0], [sflag:$0x1] =	stream.indirect_vreg.gather [hbm4b:s4+s2], $0x80, v4, vm0, $0xb8;
	[tilespmem:$0x10080] =	vst v63  }
0x27: {  	s10 =	rddreg [dreg:$0x5];
	v3 =	vadd.s32 v1, v3  }
0x28: {  	[tilespmem:s10], [sflag:$0x1] =	stream.indirect_vreg.gather [hbm4b:s5+s2], $0x80, v4, vm0, $0xb8;
	[tilespmem:$0x10080] =	vst v63  }
0x29: {  	s0 =	rddreg [dreg:$0x6]  }
0x2a: {  	[tilespmem:s0], [sflag:$0x1] =	stream.indirect_vreg.gather [hbm4b:s6+s2], $0x80, v4, vm0, $0xb8;
	[tilespmem:$0x10080] =	vst v63  }
0x2b: {  	s10 =	rddreg [dreg:$0x7]  }
0x2c: {  	[tilespmem:s10], [sflag:$0x1] =	stream.indirect_vreg.gather [hbm4b:s3+s2], $0x80, v3, vm0, $0xb8;
	[tilespmem:$0x10080] =	vst v63  }
0x2d: {  	s0 =	rddreg [dreg:$0x8]  }
0x2e: {  	[tilespmem:s0], [sflag:$0x1] =	stream.indirect_vreg.gather [hbm4b:s4+s2], $0x80, v3, vm0, $0xb8;
	[tilespmem:$0x10080] =	vst v63  }
0x2f: {  	s10 =	rddreg [dreg:$0x9]  }
0x30: {  	[tilespmem:s10], [sflag:$0x1] =	stream.indirect_vreg.gather [hbm4b:s5+s2], $0x80, v3, vm0, $0xb8;
	[tilespmem:$0x10080] =	vst v63  }
0x31: {  	s0 =	rddreg [dreg:$0xa]  }
0x32: {  	[tilespmem:s0], [sflag:$0x1] =	stream.indirect_vreg.gather [hbm4b:s6+s2], $0x80, v3, vm0, $0xb8;
	[tilespmem:$0x10080] =	vst v63  }
0x33: {  	v3 =	vld [tilespmem:$0x10];
	_ =	sdelay $0x4  }
0x34: {  	v61 =	vshll.u32 v3, $0x3  }
0x35: {  	v3 =	vand.u32 $0x7, v3;
	v4 =	vand.u32 $0xFFFFFFC0, v61  }
0x36: {  	v3 =	vor.u32 v3, v4  }
0x37: {  	v4 =	vperm.xlane v3, v0;
	_ =	sdelay $0x1  }
0x38: {  	v4 =	vadd.s32 v1, v4;
	_ =	sdelay $0x3  }
0x39: {  	s0 =	rddreg [dreg:$0xb]  }
0x3a: {  	[tilespmem:s0], [sflag:$0x1] =	stream.indirect_vreg.gather [hbm4b:s3+s2], $0x80, v4, vm0, $0xb8;
	[tilespmem:$0x10080] =	vst v63  }
0x3b: {  	s10 =	rddreg [dreg:$0xc];
	v3 =	vperm.xlane v3, v2  }
0x3c: {  	[tilespmem:s10], [sflag:$0x1] =	stream.indirect_vreg.gather [hbm4b:s4+s2], $0x80, v4, vm0, $0xb8;
	[tilespmem:$0x10080] =	vst v63  }
0x3d: {  	v3 =	vadd.s32 v1, v3;
	s0 =	rddreg [dreg:$0xd]  }
0x3e: {  	[tilespmem:s0], [sflag:$0x1] =	stream.indirect_vreg.gather [hbm4b:s5+s2], $0x80, v4, vm0, $0xb8;
	[tilespmem:$0x10080] =	vst v63  }
0x3f: {  	s10 =	simm.s32 $0x5880  }
0x40: {  	[tilespmem:s10], [sflag:$0x1] =	stream.indirect_vreg.gather [hbm4b:s6+s2], $0x80, v4, vm0, $0xb8;
	[tilespmem:$0x10080] =	vst v63  }
0x41: {  	_ = 	snop  }
0x42: {  	[tilespmem:s11], [sflag:$0x1] =	stream.indirect_vreg.gather [hbm4b:s3+s2], $0x80, v3, vm0, $0xb8;
	[tilespmem:$0x10080] =	vst v63  }
0x43: {  	_ = 	snop  }
0x44: {  	[tilespmem:s12], [sflag:$0x1] =	stream.indirect_vreg.gather [hbm4b:s4+s2], $0x80, v3, vm0, $0xb8;
	[tilespmem:$0x10080] =	vst v63  }
0x45: {  	_ = 	snop  }
0x46: {  	[tilespmem:s13], [sflag:$0x1] =	stream.indirect_vreg.gather [hbm4b:s5+s2], $0x80, v3, vm0, $0xb8;
	[tilespmem:$0x10080] =	vst v63  }
0x47: {  	_ = 	snop  }
0x48: {  	[tilespmem:s14], [sflag:$0x1] =	stream.indirect_vreg.gather [hbm4b:s6+s2], $0x80, v3, vm0, $0xb8;
	[tilespmem:$0x10080] =	vst v63  }
0x49: {  	v3 =	vld [tilespmem:$0x20];
	_ =	sdelay $0x4  }
0x4a: {  	v62 =	vshll.u32 v3, $0x3  }
0x4b: {  	v3 =	vand.u32 $0x7, v3;
	v4 =	vand.u32 $0xFFFFFFC0, v62  }
0x4c: {  	v3 =	vor.u32 v3, v4  }
0x4d: {  	v4 =	vperm.xlane v3, v0;
	_ =	sdelay $0x1  }
0x4e: {  	v4 =	vadd.s32 v1, v4;
	_ =	sdelay $0x4  }
0x4f: {  	[tilespmem:s15], [sflag:$0x1] =	stream.indirect_vreg.gather [hbm4b:s3+s2], $0x80, v4, vm0, $0xb8;
	[tilespmem:$0x10080] =	vst v63  }
0x50: {  	v3 =	vperm.xlane v3, v2  }
0x51: {  	[tilespmem:s16], [sflag:$0x1] =	stream.indirect_vreg.gather [hbm4b:s4+s2], $0x80, v4, vm0, $0xb8;
	[tilespmem:$0x10080] =	vst v63  }
0x52: {  	v3 =	vadd.s32 v1, v3  }
0x53: {  	[tilespmem:s17], [sflag:$0x1] =	stream.indirect_vreg.gather [hbm4b:s5+s2], $0x80, v4, vm0, $0xb8;
	[tilespmem:$0x10080] =	vst v63  }
0x54: {  	_ = 	snop  }
0x55: {  	[tilespmem:s18], [sflag:$0x1] =	stream.indirect_vreg.gather [hbm4b:s6+s2], $0x80, v4, vm0, $0xb8;
	[tilespmem:$0x10080] =	vst v63  }
0x56: {  	_ = 	snop  }
0x57: {  	[tilespmem:s19], [sflag:$0x1] =	stream.indirect_vreg.gather [hbm4b:s3+s2], $0x80, v3, vm0, $0xb8;
	[tilespmem:$0x10080] =	vst v63  }
0x58: {  	_ = 	snop  }
0x59: {  	[tilespmem:s20], [sflag:$0x1] =	stream.indirect_vreg.gather [hbm4b:s4+s2], $0x80, v3, vm0, $0xb8;
	[tilespmem:$0x10080] =	vst v63  }
0x5a: {  	_ = 	snop  }
0x5b: {  	[tilespmem:s21], [sflag:$0x1] =	stream.indirect_vreg.gather [hbm4b:s5+s2], $0x80, v3, vm0, $0xb8;
	[tilespmem:$0x10080] =	vst v63  }
0x5c: {  	_ = 	snop  }
0x5d: {  	[tilespmem:s22], [sflag:$0x1] =	stream.indirect_vreg.gather [hbm4b:s6+s2], $0x80, v3, vm0, $0xb8;
	[tilespmem:$0x10080] =	vst v63  }
0x5e: {  	v3 =	vld [tilespmem:$0x30];
	_ =	sdelay $0x4  }
0x5f: {  	v63 =	vshll.u32 v3, $0x3  }
0x60: {  	v3 =	vand.u32 $0x7, v3;
	v4 =	vand.u32 $0xFFFFFFC0, v63  }
0x61: {  	v3 =	vor.u32 v3, v4  }
0x62: {  	v4 =	vperm.xlane v3, v0;
	_ =	sdelay $0x1  }
0x63: {  	v4 =	vadd.s32 v1, v4;
	_ =	sdelay $0x4  }
0x64: {  	[tilespmem:s23], [sflag:$0x1] =	stream.indirect_vreg.gather [hbm4b:s3+s2], $0x80, v4, vm0, $0xb8;
	[tilespmem:$0x10080] =	vst v63  }
0x65: {  	v3 =	vperm.xlane v3, v2  }
0x66: {  	[tilespmem:s24], [sflag:$0x1] =	stream.indirect_vreg.gather [hbm4b:s4+s2], $0x80, v4, vm0, $0xb8;
	[tilespmem:$0x10080] =	vst v63  }
0x67: {  	v3 =	vadd.s32 v1, v3  }
0x68: {  	[tilespmem:s25], [sflag:$0x1] =	stream.indirect_vreg.gather [hbm4b:s5+s2], $0x80, v4, vm0, $0xb8;
	[tilespmem:$0x10080] =	vst v63  }
0x69: {  	_ = 	snop  }
0x6a: {  	[tilespmem:s26], [sflag:$0x1] =	stream.indirect_vreg.gather [hbm4b:s6+s2], $0x80, v4, vm0, $0xb8;
	[tilespmem:$0x10080] =	vst v63  }
0x6b: {  	_ = 	snop  }
0x6c: {  	[tilespmem:s28], [sflag:$0x1] =	stream.indirect_vreg.gather [hbm4b:s3+s2], $0x80, v3, vm0, $0xb8;
	[tilespmem:$0x10080] =	vst v63  }
0x6d: {  	_ = 	snop  }
0x6e: {  	[tilespmem:s29], [sflag:$0x1] =	stream.indirect_vreg.gather [hbm4b:s4+s2], $0x80, v3, vm0, $0xb8;
	[tilespmem:$0x10080] =	vst v63  }
0x6f: {  	_ = 	snop  }
0x70: {  	[tilespmem:s30], [sflag:$0x1] =	stream.indirect_vreg.gather [hbm4b:s5+s2], $0x80, v3, vm0, $0xb8;
	[tilespmem:$0x10080] =	vst v63  }
0x71: {  	_ = 	snop  }
0x72: {  	[tilespmem:s31], [sflag:$0x1] =	stream.indirect_vreg.gather [hbm4b:s6+s2], $0x80, v3, vm0, $0xb8;
	[tilespmem:$0x10080] =	vst v63  }
0x73: {  	_ =	swait.ge [sflag:s1], $0x10000  }
0x74: {  	p0 =	sne.s32 s7, $0x1;
	[sflag:s1] =	ssyncset.done $0x0  }
.Ltmp0:
0x75: {  	s10 =	rddreg [dreg:$0x3];
	[sflag:s1] =	ssyncadd.s32 $0xFFFF0000;
	(pc) =	sbr.rel @p0 .LBB2_1-.Ltmp0, $4  }
0x76: {  	[hbm4b:s10+s2] =	stream.linear.scatter [tilespmem:s9], [sflag:$0x2], $0x10000, $0x38;
	[tilespmem:$0x10080] =	vst v63  }
0x77: {  	_ =	swait.ge [sflag:s8], $0x10000  }
0x78: {  	[sflag:s8] =	ssyncset.done $0x0  }
0x79: {  	s7 =	sadd.s32 $0xFFFFFFFF, s7;
	[sflag:s8] =	ssyncadd.s32 $0xFFFF0000  }
0x7a: {  	_ =	sfence.sel $0x180000  }
0x7b: {  	[bflag:$0x0] =	sbarrier.arrive $0xFFFF  }
0x7c: {  	_ =	strace $0x9000004A  }
0x7d: {  	s0 =	stileid.u32;
	[bflag:$0x2] =	sbarrier.arrive $0xFFFF  }
0x7e: {  	p0 =	sne.s32 s0, $0x0;
	s0 =	rddreg [dreg:$0x1]  }
0x7f: {  	s0 =	sadd.s32 @!p0 $0x100000, s0  }
0x80: {  	[sflag:s0] =	ssyncadd.tile.s32 @!p0 $0x1;
	_ =	shalt  }
.Lfunc_end2:
_tile_overlayer_lowered:
.L_overlay_start_2:
0x81: {  	(tag) =	ssettag $0x2  }
0x82: {  	s0 =	rddreg [dreg:$0x0];
	s2 =	stileid.u32  }
0x83: {  	s1 =	rddreg [dreg:$0x1];
	p0 =	sne.s32 s2, $0x0  }
0x84: {  	s3 =	rddreg [dreg:$0x2];
	[bflag:$0x3] =	sbarrier.arrive $0xFFFF;
	s2 =	simm.s32 @!p0 $0x1C02  }
0x85: {  	[timem:s3], [sflag:s2] =	dma.local @!p0 [hbm:s0], s1  }
0x86: {  	s0 =	simm.s32 @!p0 $0x2  }
0x87: {  	_ =	swait.ge @!p0 [sflag:s0], s1  }
0x88: {  	s1 =	ssub.s32 @!p0 $0x0, s1;
	[sflag:s0] =	ssyncset.done @!p0 $0x0  }
0x89: {  	[sflag:s0] =	ssyncadd.s32 @!p0 s1  }
0x8a: {  	[bflag:$0x3] =	sbarrier.arrive $0xFFFF  }
0x8b: {  	_ =	shalt  }

</sc_bundles>
